<compile_context>
chip_gen: v7x
topology: tpu7x:2x2x1
jax: 0.10.2.dev20260603
libtpu: 0.0.44.dev20260713+nightly
codegen_flags: <defaults>
</compile_context>

<pallas_src>
import jax
import jax.numpy as jnp
from jax import lax
from jax.experimental import pallas as pl
from jax.experimental.pallas import tpu as pltpu
from jax.experimental.pallas import tpu_sc as plsc

_L = 16


def _pos_body(col_hbm, row_hbm, out_hbm, slab_v, row_v, sem, sem2):
    batches, h = out_hbm.shape[0], out_hbm.shape[1]
    n_xg = out_hbm.shape[2]
    n_cg = out_hbm.shape[3]
    n_cgh = n_cg // 2

    wid = lax.axis_index("s") * 2 + lax.axis_index("c")

    col_copies = []
    for xg in range(n_xg):
        for cgl in range(n_cgh):
            src = col_hbm.at[pl.ds(xg * 8, 8), pl.ds(cgl * 128, 128)]
            col_copies.append(pltpu.async_copy(src, slab_v.at[xg, cgl], sem2))

    pltpu.sync_copy(row_hbm.at[pl.ds(0, h)], row_v)

    def fill(xg, carry):
        for cgh in range(n_cgh):
            for ch in range(128 // _L):
                v = row_v[wid, pl.ds(cgh * 128 + ch * _L, _L)]
                for xi in range(8):
                    slab_v[xg, n_cgh + cgh, xi, pl.ds(ch * _L, _L)] = v
        return carry

    lax.fori_loop(0, n_xg, fill, 0)

    for cp in col_copies:
        cp.wait()

    out_copies = []
    for b in range(batches):
        out_copies.append(pltpu.async_copy(slab_v, out_hbm.at[b, wid], sem))
    for cp in out_copies:
        cp.wait()


@jax.jit
def kernel(pixel_values, row_embeddings, column_embeddings):
    b = pixel_values.shape[0]
    h, w = pixel_values.shape[-2], pixel_values.shape[-1]
    d = column_embeddings.shape[-1]
    n_xg, n_cg = w // 8, (2 * d) // 128

    run = pl.kernel(
        _pos_body,
        out_type=jax.ShapeDtypeStruct((b, h, n_xg, n_cg, 8, 128), jnp.float32),
        mesh=plsc.VectorSubcoreMesh(core_axis_name="c", subcore_axis_name="s"),
        compiler_params=pltpu.CompilerParams(
            use_tc_tiling_on_sc=False, needs_layout_passes=False
        ),
        scratch_types=[
            pltpu.VMEM((n_xg, n_cg, 8, 128), jnp.float32),
            pltpu.VMEM((h, d), jnp.float32),
            pltpu.SemaphoreType.DMA,
            pltpu.SemaphoreType.DMA,
        ],
    )
    out6 = run(column_embeddings, row_embeddings)
    return out6.transpose(0, 3, 5, 1, 2, 4).reshape(b, 2 * d, h, w)

# --- scband reference (transcript-rebuilt; emitter-appended) ---
"""Pipeline reference for scband-detr-learned-position-embedding-30322469110333 (READ-ONLY COPY).

The authoritative reference and input builder live on the scoring server;
editing this copy changes nothing except your own understanding.
"""

import jax, jax.numpy as jnp
import numpy as np


def setup_inputs(seed: int = 0) -> dict:
    key = jax.random.key(seed)
    k1, k2, k3 = jax.random.split(key, 3)
    pixel_values = jax.random.normal(k1, (8, 256, 32, 32), dtype=jnp.float32)
    row_embeddings = jax.random.normal(k2, (50, 256), dtype=jnp.float32) * 0.02
    column_embeddings = jax.random.normal(k3, (50, 256), dtype=jnp.float32) * 0.02
    return {
        "pixel_values": pixel_values,
        "row_embeddings": row_embeddings,
        "column_embeddings": column_embeddings,
    }


def reference(pixel_values, row_embeddings, column_embeddings):
    b = pixel_values.shape[0]
    h, w = pixel_values.shape[-2], pixel_values.shape[-1]
    i = jnp.arange(w)
    j = jnp.arange(h)
    x_emb = jnp.take(column_embeddings, i, axis=0)  # [w, d]
    y_emb = jnp.take(row_embeddings, j, axis=0)     # [h, d]
    d = x_emb.shape[-1]
    x_tiled = jnp.broadcast_to(x_emb[None, :, :], (h, w, d))   # repeat over rows
    y_tiled = jnp.broadcast_to(y_emb[:, None, :], (h, w, d))   # repeat over cols
    pos = jnp.concatenate([x_tiled, y_tiled], axis=-1)          # [h, w, 2d]
    pos = jnp.transpose(pos, (2, 0, 1))                         # [2d, h, w]
    pos = pos[None, :, :, :]                                    # [1, 2d, h, w]
    pos = jnp.broadcast_to(pos, (b,) + pos.shape[1:])           # [b, 2d, h, w]
    return pos

if __name__ == "__main__":
    import jax
    _d = setup_inputs()
    print(jax.jit(kernel)(*tuple(_d.values())))

</pallas_src>

<mosaic_0001>
#map = affine_map<(d0, d1) -> (0, 0)>
#map1 = affine_map<(d0, d1) -> (0, 0, 0, 0, 0, 0)>
module attributes {stable_mosaic.version = 14 : i64} {
  func.func @_pos_body(%arg0: i32, %arg1: i32, %arg2: memref<50x256xf32, #tpu.memory_space<hbm>>, %arg3: memref<50x256xf32, #tpu.memory_space<hbm>>, %arg4: memref<8x32x4x4x8x128xf32, #tpu.memory_space<hbm>>, %arg5: memref<4x4x8x128xf32, #tpu.memory_space<vmem>>, %arg6: memref<32x256xf32, #tpu.memory_space<vmem>>, %arg7: memref<!tpu.dma_semaphore, #tpu.memory_space<semaphore_mem>>, %arg8: memref<!tpu.dma_semaphore, #tpu.memory_space<semaphore_mem>>) attributes {dimension_semantics = [#tpu.dimension_semantics<core_parallel>, #tpu.dimension_semantics<subcore_parallel>], iteration_bounds = array<i64: 2, 16>, scalar_prefetch = 0 : i64, scratch_operands = 4 : i64, tpu.core_type = #tpu.core_type<sc_vector_subcore>, window_params = [{transform_indices = #map}, {transform_indices = #map}, {transform_indices = #map1}]} {
    %mul3A = arith.constant 2 : i32
    %mul3A_0 = arith.muli %arg1, %mul3A : i32
    %add3A = arith.addi %mul3A_0, %arg0 : i32
    %dma_start3A = arith.constant 0 : i32
    %dma_start3A_1 = arith.constant 0 : i32
    %dma_start3A_2 = arith.constant 0 : i32
    %dma_start3A_3 = arith.constant 0 : i32
    %dma_start3A_4 = tpu.memref_slice %arg5[%dma_start3A, %dma_start3A_1, %dma_start3A_2, %dma_start3A_3] : memref<4x4x8x128xf32, #tpu.memory_space<vmem>> -> memref<1x1x8x128xf32, #tpu.memory_space<vmem>>
    %dma_start3A_5 = tpu.memref_squeeze %dma_start3A_4 : memref<1x1x8x128xf32, #tpu.memory_space<vmem>> -> memref<8x128xf32, #tpu.memory_space<vmem>>
    %dma_start3A_6 = arith.constant 0 : i32
    %dma_start3A_7 = arith.constant 0 : i32
    %dma_start3A_8 = tpu.memref_slice %arg2[%dma_start3A_6, %dma_start3A_7] : memref<50x256xf32, #tpu.memory_space<hbm>> -> memref<8x128xf32, #tpu.memory_space<hbm>>
    %dma_start3A_9 = arith.constant 0 : i32
    %dma_start3A_10 = arith.constant 0 : i32
    %dma_start3A_11 = tpu.memref_slice %arg5[%dma_start3A, %dma_start3A_1, %dma_start3A_9, %dma_start3A_10] : memref<4x4x8x128xf32, #tpu.memory_space<vmem>> -> memref<1x1x8x128xf32, #tpu.memory_space<vmem>>
    %dma_start3A_12 = tpu.memref_squeeze %dma_start3A_11 : memref<1x1x8x128xf32, #tpu.memory_space<vmem>> -> memref<8x128xf32, #tpu.memory_space<vmem>>
    %dma_start3A_13 = arith.constant 0 : i32
    %dma_start3A_14 = arith.constant 0 : i32
    %dma_start3A_15 = tpu.memref_slice %arg2[%dma_start3A_13, %dma_start3A_14] : memref<50x256xf32, #tpu.memory_space<hbm>> -> memref<8x128xf32, #tpu.memory_space<hbm>>
    tpu.enqueue_dma source(%dma_start3A_15 : memref<8x128xf32, #tpu.memory_space<hbm>>) target(%dma_start3A_12 : memref<8x128xf32, #tpu.memory_space<vmem>>) target_semaphore(%arg8 : memref<!tpu.dma_semaphore, #tpu.memory_space<semaphore_mem>>)
    %dma_start3A_16 = arith.constant 0 : i32
    %dma_start3A_17 = arith.constant 1 : i32
    %dma_start3A_18 = arith.constant 0 : i32
    %dma_start3A_19 = arith.constant 0 : i32
    %dma_start3A_20 = tpu.memref_slice %arg5[%dma_start3A_16, %dma_start3A_17, %dma_start3A_18, %dma_start3A_19] : memref<4x4x8x128xf32, #tpu.memory_space<vmem>> -> memref<1x1x8x128xf32, #tpu.memory_space<vmem>>
    %dma_start3A_21 = tpu.memref_squeeze %dma_start3A_20 : memref<1x1x8x128xf32, #tpu.memory_space<vmem>> -> memref<8x128xf32, #tpu.memory_space<vmem>>
    %dma_start3A_22 = arith.constant 0 : i32
    %dma_start3A_23 = arith.constant 128 : i32
    %dma_start3A_24 = tpu.memref_slice %arg2[%dma_start3A_22, %dma_start3A_23] : memref<50x256xf32, #tpu.memory_space<hbm>> -> memref<8x128xf32, #tpu.memory_space<hbm>>
    %dma_start3A_25 = arith.constant 0 : i32
    %dma_start3A_26 = arith.constant 0 : i32
    %dma_start3A_27 = tpu.memref_slice %arg5[%dma_start3A_16, %dma_start3A_17, %dma_start3A_25, %dma_start3A_26] : memref<4x4x8x128xf32, #tpu.memory_space<vmem>> -> memref<1x1x8x128xf32, #tpu.memory_space<vmem>>
    %dma_start3A_28 = tpu.memref_squeeze %dma_start3A_27 : memref<1x1x8x128xf32, #tpu.memory_space<vmem>> -> memref<8x128xf32, #tpu.memory_space<vmem>>
    %dma_start3A_29 = arith.constant 0 : i32
    %dma_start3A_30 = arith.constant 128 : i32
    %dma_start3A_31 = tpu.memref_slice %arg2[%dma_start3A_29, %dma_start3A_30] : memref<50x256xf32, #tpu.memory_space<hbm>> -> memref<8x128xf32, #tpu.memory_space<hbm>>
    tpu.enqueue_dma source(%dma_start3A_31 : memref<8x128xf32, #tpu.memory_space<hbm>>) target(%dma_start3A_28 : memref<8x128xf32, #tpu.memory_space<vmem>>) target_semaphore(%arg8 : memref<!tpu.dma_semaphore, #tpu.memory_space<semaphore_mem>>)
    %dma_start3A_32 = arith.constant 1 : i32
    %dma_start3A_33 = arith.constant 0 : i32
    %dma_start3A_34 = arith.constant 0 : i32
    %dma_start3A_35 = arith.constant 0 : i32
    %dma_start3A_36 = tpu.memref_slice %arg5[%dma_start3A_32, %dma_start3A_33, %dma_start3A_34, %dma_start3A_35] : memref<4x4x8x128xf32, #tpu.memory_space<vmem>> -> memref<1x1x8x128xf32, #tpu.memory_space<vmem>>
    %dma_start3A_37 = tpu.memref_squeeze %dma_start3A_36 : memref<1x1x8x128xf32, #tpu.memory_space<vmem>> -> memref<8x128xf32, #tpu.memory_space<vmem>>
    %dma_start3A_38 = arith.constant 8 : i32
    %dma_start3A_39 = arith.constant 0 : i32
    %dma_start3A_40 = tpu.memref_slice %arg2[%dma_start3A_38, %dma_start3A_39] : memref<50x256xf32, #tpu.memory_space<hbm>> -> memref<8x128xf32, #tpu.memory_space<hbm>>
    %dma_start3A_41 = arith.constant 0 : i32
    %dma_start3A_42 = arith.constant 0 : i32
    %dma_start3A_43 = tpu.memref_slice %arg5[%dma_start3A_32, %dma_start3A_33, %dma_start3A_41, %dma_start3A_42] : memref<4x4x8x128xf32, #tpu.memory_space<vmem>> -> memref<1x1x8x128xf32, #tpu.memory_space<vmem>>
    %dma_start3A_44 = tpu.memref_squeeze %dma_start3A_43 : memref<1x1x8x128xf32, #tpu.memory_space<vmem>> -> memref<8x128xf32, #tpu.memory_space<vmem>>
    %dma_start3A_45 = arith.constant 8 : i32
    %dma_start3A_46 = arith.constant 0 : i32
    %dma_start3A_47 = tpu.memref_slice %arg2[%dma_start3A_45, %dma_start3A_46] : memref<50x256xf32, #tpu.memory_space<hbm>> -> memref<8x128xf32, #tpu.memory_space<hbm>>
    tpu.enqueue_dma source(%dma_start3A_47 : memref<8x128xf32, #tpu.memory_space<hbm>>) target(%dma_start3A_44 : memref<8x128xf32, #tpu.memory_space<vmem>>) target_semaphore(%arg8 : memref<!tpu.dma_semaphore, #tpu.memory_space<semaphore_mem>>)
    %dma_start3A_48 = arith.constant 1 : i32
    %dma_start3A_49 = arith.constant 1 : i32
    %dma_start3A_50 = arith.constant 0 : i32
    %dma_start3A_51 = arith.constant 0 : i32
    %dma_start3A_52 = tpu.memref_slice %arg5[%dma_start3A_48, %dma_start3A_49, %dma_start3A_50, %dma_start3A_51] : memref<4x4x8x128xf32, #tpu.memory_space<vmem>> -> memref<1x1x8x128xf32, #tpu.memory_space<vmem>>
    %dma_start3A_53 = tpu.memref_squeeze %dma_start3A_52 : memref<1x1x8x128xf32, #tpu.memory_space<vmem>> -> memref<8x128xf32, #tpu.memory_space<vmem>>
    %dma_start3A_54 = arith.constant 8 : i32
    %dma_start3A_55 = arith.constant 128 : i32
    %dma_start3A_56 = tpu.memref_slice %arg2[%dma_start3A_54, %dma_start3A_55] : memref<50x256xf32, #tpu.memory_space<hbm>> -> memref<8x128xf32, #tpu.memory_space<hbm>>
    %dma_start3A_57 = arith.constant 0 : i32
    %dma_start3A_58 = arith.constant 0 : i32
    %dma_start3A_59 = tpu.memref_slice %arg5[%dma_start3A_48, %dma_start3A_49, %dma_start3A_57, %dma_start3A_58] : memref<4x4x8x128xf32, #tpu.memory_space<vmem>> -> memref<1x1x8x128xf32, #tpu.memory_space<vmem>>
    %dma_start3A_60 = tpu.memref_squeeze %dma_start3A_59 : memref<1x1x8x128xf32, #tpu.memory_space<vmem>> -> memref<8x128xf32, #tpu.memory_space<vmem>>
    %dma_start3A_61 = arith.constant 8 : i32
    %dma_start3A_62 = arith.constant 128 : i32
    %dma_start3A_63 = tpu.memref_slice %arg2[%dma_start3A_61, %dma_start3A_62] : memref<50x256xf32, #tpu.memory_space<hbm>> -> memref<8x128xf32, #tpu.memory_space<hbm>>
    tpu.enqueue_dma source(%dma_start3A_63 : memref<8x128xf32, #tpu.memory_space<hbm>>) target(%dma_start3A_60 : memref<8x128xf32, #tpu.memory_space<vmem>>) target_semaphore(%arg8 : memref<!tpu.dma_semaphore, #tpu.memory_space<semaphore_mem>>)
    %dma_start3A_64 = arith.constant 2 : i32
    %dma_start3A_65 = arith.constant 0 : i32
    %dma_start3A_66 = arith.constant 0 : i32
    %dma_start3A_67 = arith.constant 0 : i32
    %dma_start3A_68 = tpu.memref_slice %arg5[%dma_start3A_64, %dma_start3A_65, %dma_start3A_66, %dma_start3A_67] : memref<4x4x8x128xf32, #tpu.memory_space<vmem>> -> memref<1x1x8x128xf32, #tpu.memory_space<vmem>>
    %dma_start3A_69 = tpu.memref_squeeze %dma_start3A_68 : memref<1x1x8x128xf32, #tpu.memory_space<vmem>> -> memref<8x128xf32, #tpu.memory_space<vmem>>
    %dma_start3A_70 = arith.constant 16 : i32
    %dma_start3A_71 = arith.constant 0 : i32
    %dma_start3A_72 = tpu.memref_slice %arg2[%dma_start3A_70, %dma_start3A_71] : memref<50x256xf32, #tpu.memory_space<hbm>> -> memref<8x128xf32, #tpu.memory_space<hbm>>
    %dma_start3A_73 = arith.constant 0 : i32
    %dma_start3A_74 = arith.constant 0 : i32
    %dma_start3A_75 = tpu.memref_slice %arg5[%dma_start3A_64, %dma_start3A_65, %dma_start3A_73, %dma_start3A_74] : memref<4x4x8x128xf32, #tpu.memory_space<vmem>> -> memref<1x1x8x128xf32, #tpu.memory_space<vmem>>
    %dma_start3A_76 = tpu.memref_squeeze %dma_start3A_75 : memref<1x1x8x128xf32, #tpu.memory_space<vmem>> -> memref<8x128xf32, #tpu.memory_space<vmem>>
    %dma_start3A_77 = arith.constant 16 : i32
    %dma_start3A_78 = arith.constant 0 : i32
    %dma_start3A_79 = tpu.memref_slice %arg2[%dma_start3A_77, %dma_start3A_78] : memref<50x256xf32, #tpu.memory_space<hbm>> -> memref<8x128xf32, #tpu.memory_space<hbm>>
    tpu.enqueue_dma source(%dma_start3A_79 : memref<8x128xf32, #tpu.memory_space<hbm>>) target(%dma_start3A_76 : memref<8x128xf32, #tpu.memory_space<vmem>>) target_semaphore(%arg8 : memref<!tpu.dma_semaphore, #tpu.memory_space<semaphore_mem>>)
    %dma_start3A_80 = arith.constant 2 : i32
    %dma_start3A_81 = arith.constant 1 : i32
    %dma_start3A_82 = arith.constant 0 : i32
    %dma_start3A_83 = arith.constant 0 : i32
    %dma_start3A_84 = tpu.memref_slice %arg5[%dma_start3A_80, %dma_start3A_81, %dma_start3A_82, %dma_start3A_83] : memref<4x4x8x128xf32, #tpu.memory_space<vmem>> -> memref<1x1x8x128xf32, #tpu.memory_space<vmem>>
    %dma_start3A_85 = tpu.memref_squeeze %dma_start3A_84 : memref<1x1x8x128xf32, #tpu.memory_space<vmem>> -> memref<8x128xf32, #tpu.memory_space<vmem>>
    %dma_start3A_86 = arith.constant 16 : i32
    %dma_start3A_87 = arith.constant 128 : i32
    %dma_start3A_88 = tpu.memref_slice %arg2[%dma_start3A_86, %dma_start3A_87] : memref<50x256xf32, #tpu.memory_space<hbm>> -> memref<8x128xf32, #tpu.memory_space<hbm>>
    %dma_start3A_89 = arith.constant 0 : i32
    %dma_start3A_90 = arith.constant 0 : i32
    %dma_start3A_91 = tpu.memref_slice %arg5[%dma_start3A_80, %dma_start3A_81, %dma_start3A_89, %dma_start3A_90] : memref<4x4x8x128xf32, #tpu.memory_space<vmem>> -> memref<1x1x8x128xf32, #tpu.memory_space<vmem>>
    %dma_start3A_92 = tpu.memref_squeeze %dma_start3A_91 : memref<1x1x8x128xf32, #tpu.memory_space<vmem>> -> memref<8x128xf32, #tpu.memory_space<vmem>>
    %dma_start3A_93 = arith.constant 16 : i32
    %dma_start3A_94 = arith.constant 128 : i32
    %dma_start3A_95 = tpu.memref_slice %arg2[%dma_start3A_93, %dma_start3A_94] : memref<50x256xf32, #tpu.memory_space<hbm>> -> memref<8x128xf32, #tpu.memory_space<hbm>>
    tpu.enqueue_dma source(%dma_start3A_95 : memref<8x128xf32, #tpu.memory_space<hbm>>) target(%dma_start3A_92 : memref<8x128xf32, #tpu.memory_space<vmem>>) target_semaphore(%arg8 : memref<!tpu.dma_semaphore, #tpu.memory_space<semaphore_mem>>)
    %dma_start3A_96 = arith.constant 3 : i32
    %dma_start3A_97 = arith.constant 0 : i32
    %dma_start3A_98 = arith.constant 0 : i32
    %dma_start3A_99 = arith.constant 0 : i32
    %dma_start3A_100 = tpu.memref_slice %arg5[%dma_start3A_96, %dma_start3A_97, %dma_start3A_98, %dma_start3A_99] : memref<4x4x8x128xf32, #tpu.memory_space<vmem>> -> memref<1x1x8x128xf32, #tpu.memory_space<vmem>>
    %dma_start3A_101 = tpu.memref_squeeze %dma_start3A_100 : memref<1x1x8x128xf32, #tpu.memory_space<vmem>> -> memref<8x128xf32, #tpu.memory_space<vmem>>
    %dma_start3A_102 = arith.constant 24 : i32
    %dma_start3A_103 = arith.constant 0 : i32
    %dma_start3A_104 = tpu.memref_slice %arg2[%dma_start3A_102, %dma_start3A_103] : memref<50x256xf32, #tpu.memory_space<hbm>> -> memref<8x128xf32, #tpu.memory_space<hbm>>
    %dma_start3A_105 = arith.constant 0 : i32
    %dma_start3A_106 = arith.constant 0 : i32
    %dma_start3A_107 = tpu.memref_slice %arg5[%dma_start3A_96, %dma_start3A_97, %dma_start3A_105, %dma_start3A_106] : memref<4x4x8x128xf32, #tpu.memory_space<vmem>> -> memref<1x1x8x128xf32, #tpu.memory_space<vmem>>
    %dma_start3A_108 = tpu.memref_squeeze %dma_start3A_107 : memref<1x1x8x128xf32, #tpu.memory_space<vmem>> -> memref<8x128xf32, #tpu.memory_space<vmem>>
    %dma_start3A_109 = arith.constant 24 : i32
    %dma_start3A_110 = arith.constant 0 : i32
    %dma_start3A_111 = tpu.memref_slice %arg2[%dma_start3A_109, %dma_start3A_110] : memref<50x256xf32, #tpu.memory_space<hbm>> -> memref<8x128xf32, #tpu.memory_space<hbm>>
    tpu.enqueue_dma source(%dma_start3A_111 : memref<8x128xf32, #tpu.memory_space<hbm>>) target(%dma_start3A_108 : memref<8x128xf32, #tpu.memory_space<vmem>>) target_semaphore(%arg8 : memref<!tpu.dma_semaphore, #tpu.memory_space<semaphore_mem>>)
    %dma_start3A_112 = arith.constant 3 : i32
    %dma_start3A_113 = arith.constant 1 : i32
    %dma_start3A_114 = arith.constant 0 : i32
    %dma_start3A_115 = arith.constant 0 : i32
    %dma_start3A_116 = tpu.memref_slice %arg5[%dma_start3A_112, %dma_start3A_113, %dma_start3A_114, %dma_start3A_115] : memref<4x4x8x128xf32, #tpu.memory_space<vmem>> -> memref<1x1x8x128xf32, #tpu.memory_space<vmem>>
    %dma_start3A_117 = tpu.memref_squeeze %dma_start3A_116 : memref<1x1x8x128xf32, #tpu.memory_space<vmem>> -> memref<8x128xf32, #tpu.memory_space<vmem>>
    %dma_start3A_118 = arith.constant 24 : i32
    %dma_start3A_119 = arith.constant 128 : i32
    %dma_start3A_120 = tpu.memref_slice %arg2[%dma_start3A_118, %dma_start3A_119] : memref<50x256xf32, #tpu.memory_space<hbm>> -> memref<8x128xf32, #tpu.memory_space<hbm>>
    %dma_start3A_121 = arith.constant 0 : i32
    %dma_start3A_122 = arith.constant 0 : i32
    %dma_start3A_123 = tpu.memref_slice %arg5[%dma_start3A_112, %dma_start3A_113, %dma_start3A_121, %dma_start3A_122] : memref<4x4x8x128xf32, #tpu.memory_space<vmem>> -> memref<1x1x8x128xf32, #tpu.memory_space<vmem>>
    %dma_start3A_124 = tpu.memref_squeeze %dma_start3A_123 : memref<1x1x8x128xf32, #tpu.memory_space<vmem>> -> memref<8x128xf32, #tpu.memory_space<vmem>>
    %dma_start3A_125 = arith.constant 24 : i32
    %dma_start3A_126 = arith.constant 128 : i32
    %dma_start3A_127 = tpu.memref_slice %arg2[%dma_start3A_125, %dma_start3A_126] : memref<50x256xf32, #tpu.memory_space<hbm>> -> memref<8x128xf32, #tpu.memory_space<hbm>>
    tpu.enqueue_dma source(%dma_start3A_127 : memref<8x128xf32, #tpu.memory_space<hbm>>) target(%dma_start3A_124 : memref<8x128xf32, #tpu.memory_space<vmem>>) target_semaphore(%arg8 : memref<!tpu.dma_semaphore, #tpu.memory_space<semaphore_mem>>)
    "tpu.region"() ({
      %run_scoped3A = tpu.sem_alloc : memref<!tpu.dma_semaphore, #tpu.memory_space<semaphore_mem>>
      %dma_start3A_468 = arith.constant 0 : i32
      %dma_start3A_469 = arith.constant 0 : i32
      %dma_start3A_470 = tpu.memref_slice %arg3[%dma_start3A_468, %dma_start3A_469] : memref<50x256xf32, #tpu.memory_space<hbm>> -> memref<32x256xf32, #tpu.memory_space<hbm>>
      %dma_start3A_471 = arith.constant 0 : i32
      %dma_start3A_472 = arith.constant 0 : i32
      %dma_start3A_473 = tpu.memref_slice %arg3[%dma_start3A_471, %dma_start3A_472] : memref<50x256xf32, #tpu.memory_space<hbm>> -> memref<32x256xf32, #tpu.memory_space<hbm>>
      tpu.enqueue_dma source(%dma_start3A_473 : memref<32x256xf32, #tpu.memory_space<hbm>>) target(%arg6 : memref<32x256xf32, #tpu.memory_space<vmem>>) target_semaphore(%run_scoped3A : memref<!tpu.dma_semaphore, #tpu.memory_space<semaphore_mem>>)
      %dma_wait3A_474 = arith.constant 0 : i32
      %dma_wait3A_475 = arith.constant 0 : i32
      %dma_wait3A_476 = tpu.memref_slice %arg3[%dma_wait3A_474, %dma_wait3A_475] : memref<50x256xf32, #tpu.memory_space<hbm>> -> memref<32x256xf32, #tpu.memory_space<hbm>>
      %dma_wait3A_477 = arith.constant 0 : i32
      %dma_wait3A_478 = arith.constant 0 : i32
      %dma_wait3A_479 = tpu.memref_slice %arg3[%dma_wait3A_477, %dma_wait3A_478] : memref<50x256xf32, #tpu.memory_space<hbm>> -> memref<32x256xf32, #tpu.memory_space<hbm>>
      tpu.wait_dma2 semaphore(%run_scoped3A : memref<!tpu.dma_semaphore, #tpu.memory_space<semaphore_mem>>) src(%dma_wait3A_479 : memref<32x256xf32, #tpu.memory_space<hbm>>) dst(%arg6 : memref<32x256xf32, #tpu.memory_space<vmem>>)
      tpu.yield
    }) : () -> ()
    %scan3A = arith.constant 0 : i32
    %scan3A_128 = arith.constant 0 : i32
    %scan3A_129 = arith.constant 4 : i32
    %scan3A_130 = arith.addi %scan3A_128, %scan3A_129 : i32
    %scan3A_131 = arith.constant 1 : i32
    scf.for %scan3A_468 = %scan3A_128 to %scan3A_130 step %scan3A_131  : i32 {
      %get3A = arith.index_cast %add3A : i32 to index
      %get3A_469 = arith.constant 0 : index
      %get3A_470 = tpu.vector_load %arg6[%get3A, %get3A_469] {strides = array<i32>} : memref<32x256xf32, #tpu.memory_space<vmem>>, vector<16xf32>,
      %swap3A = arith.constant 2 : i32
      %swap3A_471 = arith.constant 0 : i32
      %swap3A_472 = arith.index_cast %scan3A_468 : i32 to index
      %swap3A_473 = arith.index_cast %swap3A : i32 to index
      %swap3A_474 = arith.index_cast %swap3A_471 : i32 to index
      %swap3A_475 = arith.constant 0 : index
      %swap3A_476 = tpu.vector_load %arg5[%swap3A_472, %swap3A_473, %swap3A_474, %swap3A_475] {strides = array<i32>} : memref<4x4x8x128xf32, #tpu.memory_space<vmem>>, vector<16xf32>,
      tpu.vector_store %arg5[%swap3A_472, %swap3A_473, %swap3A_474, %swap3A_475], %get3A_470 {strides = array<i32>} : memref<4x4x8x128xf32, #tpu.memory_space<vmem>>, vector<16xf32>,
      %swap3A_477 = arith.constant 2 : i32
      %swap3A_478 = arith.constant 1 : i32
      %swap3A_479 = arith.index_cast %scan3A_468 : i32 to index
      %swap3A_480 = arith.index_cast %swap3A_477 : i32 to index
      %swap3A_481 = arith.index_cast %swap3A_478 : i32 to index
      %swap3A_482 = arith.constant 0 : index
      %swap3A_483 = tpu.vector_load %arg5[%swap3A_479, %swap3A_480, %swap3A_481, %swap3A_482] {strides = array<i32>} : memref<4x4x8x128xf32, #tpu.memory_space<vmem>>, vector<16xf32>,
      tpu.vector_store %arg5[%swap3A_479, %swap3A_480, %swap3A_481, %swap3A_482], %get3A_470 {strides = array<i32>} : memref<4x4x8x128xf32, #tpu.memory_space<vmem>>, vector<16xf32>,
      %swap3A_484 = arith.constant 2 : i32
      %swap3A_485 = arith.constant 2 : i32
      %swap3A_486 = arith.index_cast %scan3A_468 : i32 to index
      %swap3A_487 = arith.index_cast %swap3A_484 : i32 to index
      %swap3A_488 = arith.index_cast %swap3A_485 : i32 to index
      %swap3A_489 = arith.constant 0 : index
      %swap3A_490 = tpu.vector_load %arg5[%swap3A_486, %swap3A_487, %swap3A_488, %swap3A_489] {strides = array<i32>} : memref<4x4x8x128xf32, #tpu.memory_space<vmem>>, vector<16xf32>,
      tpu.vector_store %arg5[%swap3A_486, %swap3A_487, %swap3A_488, %swap3A_489], %get3A_470 {strides = array<i32>} : memref<4x4x8x128xf32, #tpu.memory_space<vmem>>, vector<16xf32>,
      %swap3A_491 = arith.constant 2 : i32
      %swap3A_492 = arith.constant 3 : i32
      %swap3A_493 = arith.index_cast %scan3A_468 : i32 to index
      %swap3A_494 = arith.index_cast %swap3A_491 : i32 to index
      %swap3A_495 = arith.index_cast %swap3A_492 : i32 to index
      %swap3A_496 = arith.constant 0 : index
      %swap3A_497 = tpu.vector_load %arg5[%swap3A_493, %swap3A_494, %swap3A_495, %swap3A_496] {strides = array<i32>} : memref<4x4x8x128xf32, #tpu.memory_space<vmem>>, vector<16xf32>,
      tpu.vector_store %arg5[%swap3A_493, %swap3A_494, %swap3A_495, %swap3A_496], %get3A_470 {strides = array<i32>} : memref<4x4x8x128xf32, #tpu.memory_space<vmem>>, vector<16xf32>,
      %swap3A_498 = arith.constant 2 : i32
      %swap3A_499 = arith.constant 4 : i32
      %swap3A_500 = arith.index_cast %scan3A_468 : i32 to index
      %swap3A_501 = arith.index_cast %swap3A_498 : i32 to index
      %swap3A_502 = arith.index_cast %swap3A_499 : i32 to index
      %swap3A_503 = arith.constant 0 : index
      %swap3A_504 = tpu.vector_load %arg5[%swap3A_500, %swap3A_501, %swap3A_502, %swap3A_503] {strides = array<i32>} : memref<4x4x8x128xf32, #tpu.memory_space<vmem>>, vector<16xf32>,
      tpu.vector_store %arg5[%swap3A_500, %swap3A_501, %swap3A_502, %swap3A_503], %get3A_470 {strides = array<i32>} : memref<4x4x8x128xf32, #tpu.memory_space<vmem>>, vector<16xf32>,
      %swap3A_505 = arith.constant 2 : i32
      %swap3A_506 = arith.constant 5 : i32
      %swap3A_507 = arith.index_cast %scan3A_468 : i32 to index
      %swap3A_508 = arith.index_cast %swap3A_505 : i32 to index
      %swap3A_509 = arith.index_cast %swap3A_506 : i32 to index
      %swap3A_510 = arith.constant 0 : index
      %swap3A_511 = tpu.vector_load %arg5[%swap3A_507, %swap3A_508, %swap3A_509, %swap3A_510] {strides = array<i32>} : memref<4x4x8x128xf32, #tpu.memory_space<vmem>>, vector<16xf32>,
      tpu.vector_store %arg5[%swap3A_507, %swap3A_508, %swap3A_509, %swap3A_510], %get3A_470 {strides = array<i32>} : memref<4x4x8x128xf32, #tpu.memory_space<vmem>>, vector<16xf32>,
      %swap3A_512 = arith.constant 2 : i32
      %swap3A_513 = arith.constant 6 : i32
      %swap3A_514 = arith.index_cast %scan3A_468 : i32 to index
      %swap3A_515 = arith.index_cast %swap3A_512 : i32 to index
      %swap3A_516 = arith.index_cast %swap3A_513 : i32 to index
      %swap3A_517 = arith.constant 0 : index
      %swap3A_518 = tpu.vector_load %arg5[%swap3A_514, %swap3A_515, %swap3A_516, %swap3A_517] {strides = array<i32>} : memref<4x4x8x128xf32, #tpu.memory_space<vmem>>, vector<16xf32>,
      tpu.vector_store %arg5[%swap3A_514, %swap3A_515, %swap3A_516, %swap3A_517], %get3A_470 {strides = array<i32>} : memref<4x4x8x128xf32, #tpu.memory_space<vmem>>, vector<16xf32>,
      %swap3A_519 = arith.constant 2 : i32
      %swap3A_520 = arith.constant 7 : i32
      %swap3A_521 = arith.index_cast %scan3A_468 : i32 to index
      %swap3A_522 = arith.index_cast %swap3A_519 : i32 to index
      %swap3A_523 = arith.index_cast %swap3A_520 : i32 to index
      %swap3A_524 = arith.constant 0 : index
      %swap3A_525 = tpu.vector_load %arg5[%swap3A_521, %swap3A_522, %swap3A_523, %swap3A_524] {strides = array<i32>} : memref<4x4x8x128xf32, #tpu.memory_space<vmem>>, vector<16xf32>,
      tpu.vector_store %arg5[%swap3A_521, %swap3A_522, %swap3A_523, %swap3A_524], %get3A_470 {strides = array<i32>} : memref<4x4x8x128xf32, #tpu.memory_space<vmem>>, vector<16xf32>,
      %get3A_526 = arith.index_cast %add3A : i32 to index
      %get3A_527 = arith.constant 16 : index
      %get3A_528 = tpu.vector_load %arg6[%get3A_526, %get3A_527] {strides = array<i32>} : memref<32x256xf32, #tpu.memory_space<vmem>>, vector<16xf32>,
      %swap3A_529 = arith.constant 2 : i32
      %swap3A_530 = arith.constant 0 : i32
      %swap3A_531 = arith.index_cast %scan3A_468 : i32 to index
      %swap3A_532 = arith.index_cast %swap3A_529 : i32 to index
      %swap3A_533 = arith.index_cast %swap3A_530 : i32 to index
      %swap3A_534 = arith.constant 16 : index
      %swap3A_535 = tpu.vector_load %arg5[%swap3A_531, %swap3A_532, %swap3A_533, %swap3A_534] {strides = array<i32>} : memref<4x4x8x128xf32, #tpu.memory_space<vmem>>, vector<16xf32>,
      tpu.vector_store %arg5[%swap3A_531, %swap3A_532, %swap3A_533, %swap3A_534], %get3A_528 {strides = array<i32>} : memref<4x4x8x128xf32, #tpu.memory_space<vmem>>, vector<16xf32>,
      %swap3A_536 = arith.constant 2 : i32
      %swap3A_537 = arith.constant 1 : i32
      %swap3A_538 = arith.index_cast %scan3A_468 : i32 to index
      %swap3A_539 = arith.index_cast %swap3A_536 : i32 to index
      %swap3A_540 = arith.index_cast %swap3A_537 : i32 to index
      %swap3A_541 = arith.constant 16 : index
      %swap3A_542 = tpu.vector_load %arg5[%swap3A_538, %swap3A_539, %swap3A_540, %swap3A_541] {strides = array<i32>} : memref<4x4x8x128xf32, #tpu.memory_space<vmem>>, vector<16xf32>,
      tpu.vector_store %arg5[%swap3A_538, %swap3A_539, %swap3A_540, %swap3A_541], %get3A_528 {strides = array<i32>} : memref<4x4x8x128xf32, #tpu.memory_space<vmem>>, vector<16xf32>,
      %swap3A_543 = arith.constant 2 : i32
      %swap3A_544 = arith.constant 2 : i32
      %swap3A_545 = arith.index_cast %scan3A_468 : i32 to index
      %swap3A_546 = arith.index_cast %swap3A_543 : i32 to index
      %swap3A_547 = arith.index_cast %swap3A_544 : i32 to index
      %swap3A_548 = arith.constant 16 : index
      %swap3A_549 = tpu.vector_load %arg5[%swap3A_545, %swap3A_546, %swap3A_547, %swap3A_548] {strides = array<i32>} : memref<4x4x8x128xf32, #tpu.memory_space<vmem>>, vector<16xf32>,
      tpu.vector_store %arg5[%swap3A_545, %swap3A_546, %swap3A_547, %swap3A_548], %get3A_528 {strides = array<i32>} : memref<4x4x8x128xf32, #tpu.memory_space<vmem>>, vector<16xf32>,
      %swap3A_550 = arith.constant 2 : i32
      %swap3A_551 = arith.constant 3 : i32
      %swap3A_552 = arith.index_cast %scan3A_468 : i32 to index
      %swap3A_553 = arith.index_cast %swap3A_550 : i32 to index
      %swap3A_554 = arith.index_cast %swap3A_551 : i32 to index
      %swap3A_555 = arith.constant 16 : index
      %swap3A_556 = tpu.vector_load %arg5[%swap3A_552, %swap3A_553, %swap3A_554, %swap3A_555] {strides = array<i32>} : memref<4x4x8x128xf32, #tpu.memory_space<vmem>>, vector<16xf32>,
      tpu.vector_store %arg5[%swap3A_552, %swap3A_553, %swap3A_554, %swap3A_555], %get3A_528 {strides = array<i32>} : memref<4x4x8x128xf32, #tpu.memory_space<vmem>>, vector<16xf32>,
      %swap3A_557 = arith.constant 2 : i32
      %swap3A_558 = arith.constant 4 : i32
      %swap3A_559 = arith.index_cast %scan3A_468 : i32 to index
      %swap3A_560 = arith.index_cast %swap3A_557 : i32 to index
      %swap3A_561 = arith.index_cast %swap3A_558 : i32 to index
      %swap3A_562 = arith.constant 16 : index
      %swap3A_563 = tpu.vector_load %arg5[%swap3A_559, %swap3A_560, %swap3A_561, %swap3A_562] {strides = array<i32>} : memref<4x4x8x128xf32, #tpu.memory_space<vmem>>, vector<16xf32>,
      tpu.vector_store %arg5[%swap3A_559, %swap3A_560, %swap3A_561, %swap3A_562], %get3A_528 {strides = array<i32>} : memref<4x4x8x128xf32, #tpu.memory_space<vmem>>, vector<16xf32>,
      %swap3A_564 = arith.constant 2 : i32
      %swap3A_565 = arith.constant 5 : i32
      %swap3A_566 = arith.index_cast %scan3A_468 : i32 to index
      %swap3A_567 = arith.index_cast %swap3A_564 : i32 to index
      %swap3A_568 = arith.index_cast %swap3A_565 : i32 to index
      %swap3A_569 = arith.constant 16 : index
      %swap3A_570 = tpu.vector_load %arg5[%swap3A_566, %swap3A_567, %swap3A_568, %swap3A_569] {strides = array<i32>} : memref<4x4x8x128xf32, #tpu.memory_space<vmem>>, vector<16xf32>,
      tpu.vector_store %arg5[%swap3A_566, %swap3A_567, %swap3A_568, %swap3A_569], %get3A_528 {strides = array<i32>} : memref<4x4x8x128xf32, #tpu.memory_space<vmem>>, vector<16xf32>,
      %swap3A_571 = arith.constant 2 : i32
      %swap3A_572 = arith.constant 6 : i32
      %swap3A_573 = arith.index_cast %scan3A_468 : i32 to index
      %swap3A_574 = arith.index_cast %swap3A_571 : i32 to index
      %swap3A_575 = arith.index_cast %swap3A_572 : i32 to index
      %swap3A_576 = arith.constant 16 : index
      %swap3A_577 = tpu.vector_load %arg5[%swap3A_573, %swap3A_574, %swap3A_575, %swap3A_576] {strides = array<i32>} : memref<4x4x8x128xf32, #tpu.memory_space<vmem>>, vector<16xf32>,
      tpu.vector_store %arg5[%swap3A_573, %swap3A_574, %swap3A_575, %swap3A_576], %get3A_528 {strides = array<i32>} : memref<4x4x8x128xf32, #tpu.memory_space<vmem>>, vector<16xf32>,
      %swap3A_578 = arith.constant 2 : i32
      %swap3A_579 = arith.constant 7 : i32
      %swap3A_580 = arith.index_cast %scan3A_468 : i32 to index
      %swap3A_581 = arith.index_cast %swap3A_578 : i32 to index
      %swap3A_582 = arith.index_cast %swap3A_579 : i32 to index
      %swap3A_583 = arith.constant 16 : index
      %swap3A_584 = tpu.vector_load %arg5[%swap3A_580, %swap3A_581, %swap3A_582, %swap3A_583] {strides = array<i32>} : memref<4x4x8x128xf32, #tpu.memory_space<vmem>>, vector<16xf32>,
      tpu.vector_store %arg5[%swap3A_580, %swap3A_581, %swap3A_582, %swap3A_583], %get3A_528 {strides = array<i32>} : memref<4x4x8x128xf32, #tpu.memory_space<vmem>>, vector<16xf32>,
      %get3A_585 = arith.index_cast %add3A : i32 to index
      %get3A_586 = arith.constant 32 : index
      %get3A_587 = tpu.vector_load %arg6[%get3A_585, %get3A_586] {strides = array<i32>} : memref<32x256xf32, #tpu.memory_space<vmem>>, vector<16xf32>,
      %swap3A_588 = arith.constant 2 : i32
      %swap3A_589 = arith.constant 0 : i32
      %swap3A_590 = arith.index_cast %scan3A_468 : i32 to index
      %swap3A_591 = arith.index_cast %swap3A_588 : i32 to index
      %swap3A_592 = arith.index_cast %swap3A_589 : i32 to index
      %swap3A_593 = arith.constant 32 : index
      %swap3A_594 = tpu.vector_load %arg5[%swap3A_590, %swap3A_591, %swap3A_592, %swap3A_593] {strides = array<i32>} : memref<4x4x8x128xf32, #tpu.memory_space<vmem>>, vector<16xf32>,
      tpu.vector_store %arg5[%swap3A_590, %swap3A_591, %swap3A_592, %swap3A_593], %get3A_587 {strides = array<i32>} : memref<4x4x8x128xf32, #tpu.memory_space<vmem>>, vector<16xf32>,
      %swap3A_595 = arith.constant 2 : i32
      %swap3A_596 = arith.constant 1 : i32
      %swap3A_597 = arith.index_cast %scan3A_468 : i32 to index
      %swap3A_598 = arith.index_cast %swap3A_595 : i32 to index
      %swap3A_599 = arith.index_cast %swap3A_596 : i32 to index
      %swap3A_600 = arith.constant 32 : index
      %swap3A_601 = tpu.vector_load %arg5[%swap3A_597, %swap3A_598, %swap3A_599, %swap3A_600] {strides = array<i32>} : memref<4x4x8x128xf32, #tpu.memory_space<vmem>>, vector<16xf32>,
      tpu.vector_store %arg5[%swap3A_597, %swap3A_598, %swap3A_599, %swap3A_600], %get3A_587 {strides = array<i32>} : memref<4x4x8x128xf32, #tpu.memory_space<vmem>>, vector<16xf32>,
      %swap3A_602 = arith.constant 2 : i32
      %swap3A_603 = arith.constant 2 : i32
      %swap3A_604 = arith.index_cast %scan3A_468 : i32 to index
      %swap3A_605 = arith.index_cast %swap3A_602 : i32 to index
      %swap3A_606 = arith.index_cast %swap3A_603 : i32 to index
      %swap3A_607 = arith.constant 32 : index
      %swap3A_608 = tpu.vector_load %arg5[%swap3A_604, %swap3A_605, %swap3A_606, %swap3A_607] {strides = array<i32>} : memref<4x4x8x128xf32, #tpu.memory_space<vmem>>, vector<16xf32>,
      tpu.vector_store %arg5[%swap3A_604, %swap3A_605, %swap3A_606, %swap3A_607], %get3A_587 {strides = array<i32>} : memref<4x4x8x128xf32, #tpu.memory_space<vmem>>, vector<16xf32>,
      %swap3A_609 = arith.constant 2 : i32
      %swap3A_610 = arith.constant 3 : i32
      %swap3A_611 = arith.index_cast %scan3A_468 : i32 to index
      %swap3A_612 = arith.index_cast %swap3A_609 : i32 to index
      %swap3A_613 = arith.index_cast %swap3A_610 : i32 to index
      %swap3A_614 = arith.constant 32 : index
      %swap3A_615 = tpu.vector_load %arg5[%swap3A_611, %swap3A_612, %swap3A_613, %swap3A_614] {strides = array<i32>} : memref<4x4x8x128xf32, #tpu.memory_space<vmem>>, vector<16xf32>,
      tpu.vector_store %arg5[%swap3A_611, %swap3A_612, %swap3A_613, %swap3A_614], %get3A_587 {strides = array<i32>} : memref<4x4x8x128xf32, #tpu.memory_space<vmem>>, vector<16xf32>,
      %swap3A_616 = arith.constant 2 : i32
      %swap3A_617 = arith.constant 4 : i32
      %swap3A_618 = arith.index_cast %scan3A_468 : i32 to index
      %swap3A_619 = arith.index_cast %swap3A_616 : i32 to index
      %swap3A_620 = arith.index_cast %swap3A_617 : i32 to index
      %swap3A_621 = arith.constant 32 : index
      %swap3A_622 = tpu.vector_load %arg5[%swap3A_618, %swap3A_619, %swap3A_620, %swap3A_621] {strides = array<i32>} : memref<4x4x8x128xf32, #tpu.memory_space<vmem>>, vector<16xf32>,
      tpu.vector_store %arg5[%swap3A_618, %swap3A_619, %swap3A_620, %swap3A_621], %get3A_587 {strides = array<i32>} : memref<4x4x8x128xf32, #tpu.memory_space<vmem>>, vector<16xf32>,
      %swap3A_623 = arith.constant 2 : i32
      %swap3A_624 = arith.constant 5 : i32
      %swap3A_625 = arith.index_cast %scan3A_468 : i32 to index
      %swap3A_626 = arith.index_cast %swap3A_623 : i32 to index
      %swap3A_627 = arith.index_cast %swap3A_624 : i32 to index
      %swap3A_628 = arith.constant 32 : index
      %swap3A_629 = tpu.vector_load %arg5[%swap3A_625, %swap3A_626, %swap3A_627, %swap3A_628] {strides = array<i32>} : memref<4x4x8x128xf32, #tpu.memory_space<vmem>>, vector<16xf32>,
      tpu.vector_store %arg5[%swap3A_625, %swap3A_626, %swap3A_627, %swap3A_628], %get3A_587 {strides = array<i32>} : memref<4x4x8x128xf32, #tpu.memory_space<vmem>>, vector<16xf32>,
      %swap3A_630 = arith.constant 2 : i32
      %swap3A_631 = arith.constant 6 : i32
      %swap3A_632 = arith.index_cast %scan3A_468 : i32 to index
      %swap3A_633 = arith.index_cast %swap3A_630 : i32 to index
      %swap3A_634 = arith.index_cast %swap3A_631 : i32 to index
      %swap3A_635 = arith.constant 32 : index
      %swap3A_636 = tpu.vector_load %arg5[%swap3A_632, %swap3A_633, %swap3A_634, %swap3A_635] {strides = array<i32>} : memref<4x4x8x128xf32, #tpu.memory_space<vmem>>, vector<16xf32>,
      tpu.vector_store %arg5[%swap3A_632, %swap3A_633, %swap3A_634, %swap3A_635], %get3A_587 {strides = array<i32>} : memref<4x4x8x128xf32, #tpu.memory_space<vmem>>, vector<16xf32>,
      %swap3A_637 = arith.constant 2 : i32
      %swap3A_638 = arith.constant 7 : i32
      %swap3A_639 = arith.index_cast %scan3A_468 : i32 to index
      %swap3A_640 = arith.index_cast %swap3A_637 : i32 to index
      %swap3A_641 = arith.index_cast %swap3A_638 : i32 to index
      %swap3A_642 = arith.constant 32 : index
      %swap3A_643 = tpu.vector_load %arg5[%swap3A_639, %swap3A_640, %swap3A_641, %swap3A_642] {strides = array<i32>} : memref<4x4x8x128xf32, #tpu.memory_space<vmem>>, vector<16xf32>,
      tpu.vector_store %arg5[%swap3A_639, %swap3A_640, %swap3A_641, %swap3A_642], %get3A_587 {strides = array<i32>} : memref<4x4x8x128xf32, #tpu.memory_space<vmem>>, vector<16xf32>,
      %get3A_644 = arith.index_cast %add3A : i32 to index
      %get3A_645 = arith.constant 48 : index
      %get3A_646 = tpu.vector_load %arg6[%get3A_644, %get3A_645] {strides = array<i32>} : memref<32x256xf32, #tpu.memory_space<vmem>>, vector<16xf32>,
      %swap3A_647 = arith.constant 2 : i32
      %swap3A_648 = arith.constant 0 : i32
      %swap3A_649 = arith.index_cast %scan3A_468 : i32 to index
      %swap3A_650 = arith.index_cast %swap3A_647 : i32 to index
      %swap3A_651 = arith.index_cast %swap3A_648 : i32 to index
      %swap3A_652 = arith.constant 48 : index
      %swap3A_653 = tpu.vector_load %arg5[%swap3A_649, %swap3A_650, %swap3A_651, %swap3A_652] {strides = array<i32>} : memref<4x4x8x128xf32, #tpu.memory_space<vmem>>, vector<16xf32>,
      tpu.vector_store %arg5[%swap3A_649, %swap3A_650, %swap3A_651, %swap3A_652], %get3A_646 {strides = array<i32>} : memref<4x4x8x128xf32, #tpu.memory_space<vmem>>, vector<16xf32>,
      %swap3A_654 = arith.constant 2 : i32
      %swap3A_655 = arith.constant 1 : i32
      %swap3A_656 = arith.index_cast %scan3A_468 : i32 to index
      %swap3A_657 = arith.index_cast %swap3A_654 : i32 to index
      %swap3A_658 = arith.index_cast %swap3A_655 : i32 to index
      %swap3A_659 = arith.constant 48 : index
      %swap3A_660 = tpu.vector_load %arg5[%swap3A_656, %swap3A_657, %swap3A_658, %swap3A_659] {strides = array<i32>} : memref<4x4x8x128xf32, #tpu.memory_space<vmem>>, vector<16xf32>,
      tpu.vector_store %arg5[%swap3A_656, %swap3A_657, %swap3A_658, %swap3A_659], %get3A_646 {strides = array<i32>} : memref<4x4x8x128xf32, #tpu.memory_space<vmem>>, vector<16xf32>,
      %swap3A_661 = arith.constant 2 : i32
      %swap3A_662 = arith.constant 2 : i32
      %swap3A_663 = arith.index_cast %scan3A_468 : i32 to index
      %swap3A_664 = arith.index_cast %swap3A_661 : i32 to index
      %swap3A_665 = arith.index_cast %swap3A_662 : i32 to index
      %swap3A_666 = arith.constant 48 : index
      %swap3A_667 = tpu.vector_load %arg5[%swap3A_663, %swap3A_664, %swap3A_665, %swap3A_666] {strides = array<i32>} : memref<4x4x8x128xf32, #tpu.memory_space<vmem>>, vector<16xf32>,
      tpu.vector_store %arg5[%swap3A_663, %swap3A_664, %swap3A_665, %swap3A_666], %get3A_646 {strides = array<i32>} : memref<4x4x8x128xf32, #tpu.memory_space<vmem>>, vector<16xf32>,
      %swap3A_668 = arith.constant 2 : i32
      %swap3A_669 = arith.constant 3 : i32
      %swap3A_670 = arith.index_cast %scan3A_468 : i32 to index
      %swap3A_671 = arith.index_cast %swap3A_668 : i32 to index
      %swap3A_672 = arith.index_cast %swap3A_669 : i32 to index
      %swap3A_673 = arith.constant 48 : index
      %swap3A_674 = tpu.vector_load %arg5[%swap3A_670, %swap3A_671, %swap3A_672, %swap3A_673] {strides = array<i32>} : memref<4x4x8x128xf32, #tpu.memory_space<vmem>>, vector<16xf32>,
      tpu.vector_store %arg5[%swap3A_670, %swap3A_671, %swap3A_672, %swap3A_673], %get3A_646 {strides = array<i32>} : memref<4x4x8x128xf32, #tpu.memory_space<vmem>>, vector<16xf32>,
      %swap3A_675 = arith.constant 2 : i32
      %swap3A_676 = arith.constant 4 : i32
      %swap3A_677 = arith.index_cast %scan3A_468 : i32 to index
      %swap3A_678 = arith.index_cast %swap3A_675 : i32 to index
      %swap3A_679 = arith.index_cast %swap3A_676 : i32 to index
      %swap3A_680 = arith.constant 48 : index
      %swap3A_681 = tpu.vector_load %arg5[%swap3A_677, %swap3A_678, %swap3A_679, %swap3A_680] {strides = array<i32>} : memref<4x4x8x128xf32, #tpu.memory_space<vmem>>, vector<16xf32>,
      tpu.vector_store %arg5[%swap3A_677, %swap3A_678, %swap3A_679, %swap3A_680], %get3A_646 {strides = array<i32>} : memref<4x4x8x128xf32, #tpu.memory_space<vmem>>, vector<16xf32>,
      %swap3A_682 = arith.constant 2 : i32
      %swap3A_683 = arith.constant 5 : i32
      %swap3A_684 = arith.index_cast %scan3A_468 : i32 to index
      %swap3A_685 = arith.index_cast %swap3A_682 : i32 to index
      %swap3A_686 = arith.index_cast %swap3A_683 : i32 to index
      %swap3A_687 = arith.constant 48 : index
      %swap3A_688 = tpu.vector_load %arg5[%swap3A_684, %swap3A_685, %swap3A_686, %swap3A_687] {strides = array<i32>} : memref<4x4x8x128xf32, #tpu.memory_space<vmem>>, vector<16xf32>,
      tpu.vector_store %arg5[%swap3A_684, %swap3A_685, %swap3A_686, %swap3A_687], %get3A_646 {strides = array<i32>} : memref<4x4x8x128xf32, #tpu.memory_space<vmem>>, vector<16xf32>,
      %swap3A_689 = arith.constant 2 : i32
      %swap3A_690 = arith.constant 6 : i32
      %swap3A_691 = arith.index_cast %scan3A_468 : i32 to index
      %swap3A_692 = arith.index_cast %swap3A_689 : i32 to index
      %swap3A_693 = arith.index_cast %swap3A_690 : i32 to index
      %swap3A_694 = arith.constant 48 : index
      %swap3A_695 = tpu.vector_load %arg5[%swap3A_691, %swap3A_692, %swap3A_693, %swap3A_694] {strides = array<i32>} : memref<4x4x8x128xf32, #tpu.memory_space<vmem>>, vector<16xf32>,
      tpu.vector_store %arg5[%swap3A_691, %swap3A_692, %swap3A_693, %swap3A_694], %get3A_646 {strides = array<i32>} : memref<4x4x8x128xf32, #tpu.memory_space<vmem>>, vector<16xf32>,
      %swap3A_696 = arith.constant 2 : i32
      %swap3A_697 = arith.constant 7 : i32
      %swap3A_698 = arith.index_cast %scan3A_468 : i32 to index
      %swap3A_699 = arith.index_cast %swap3A_696 : i32 to index
      %swap3A_700 = arith.index_cast %swap3A_697 : i32 to index
      %swap3A_701 = arith.constant 48 : index
      %swap3A_702 = tpu.vector_load %arg5[%swap3A_698, %swap3A_699, %swap3A_700, %swap3A_701] {strides = array<i32>} : memref<4x4x8x128xf32, #tpu.memory_space<vmem>>, vector<16xf32>,
      tpu.vector_store %arg5[%swap3A_698, %swap3A_699, %swap3A_700, %swap3A_701], %get3A_646 {strides = array<i32>} : memref<4x4x8x128xf32, #tpu.memory_space<vmem>>, vector<16xf32>,
      %get3A_703 = arith.index_cast %add3A : i32 to index
      %get3A_704 = arith.constant 64 : index
      %get3A_705 = tpu.vector_load %arg6[%get3A_703, %get3A_704] {strides = array<i32>} : memref<32x256xf32, #tpu.memory_space<vmem>>, vector<16xf32>,
      %swap3A_706 = arith.constant 2 : i32
      %swap3A_707 = arith.constant 0 : i32
      %swap3A_708 = arith.index_cast %scan3A_468 : i32 to index
      %swap3A_709 = arith.index_cast %swap3A_706 : i32 to index
      %swap3A_710 = arith.index_cast %swap3A_707 : i32 to index
      %swap3A_711 = arith.constant 64 : index
      %swap3A_712 = tpu.vector_load %arg5[%swap3A_708, %swap3A_709, %swap3A_710, %swap3A_711] {strides = array<i32>} : memref<4x4x8x128xf32, #tpu.memory_space<vmem>>, vector<16xf32>,
      tpu.vector_store %arg5[%swap3A_708, %swap3A_709, %swap3A_710, %swap3A_711], %get3A_705 {strides = array<i32>} : memref<4x4x8x128xf32, #tpu.memory_space<vmem>>, vector<16xf32>,
      %swap3A_713 = arith.constant 2 : i32
      %swap3A_714 = arith.constant 1 : i32
      %swap3A_715 = arith.index_cast %scan3A_468 : i32 to index
      %swap3A_716 = arith.index_cast %swap3A_713 : i32 to index
      %swap3A_717 = arith.index_cast %swap3A_714 : i32 to index
      %swap3A_718 = arith.constant 64 : index
      %swap3A_719 = tpu.vector_load %arg5[%swap3A_715, %swap3A_716, %swap3A_717, %swap3A_718] {strides = array<i32>} : memref<4x4x8x128xf32, #tpu.memory_space<vmem>>, vector<16xf32>,
      tpu.vector_store %arg5[%swap3A_715, %swap3A_716, %swap3A_717, %swap3A_718], %get3A_705 {strides = array<i32>} : memref<4x4x8x128xf32, #tpu.memory_space<vmem>>, vector<16xf32>,
      %swap3A_720 = arith.constant 2 : i32
      %swap3A_721 = arith.constant 2 : i32
      %swap3A_722 = arith.index_cast %scan3A_468 : i32 to index
      %swap3A_723 = arith.index_cast %swap3A_720 : i32 to index
      %swap3A_724 = arith.index_cast %swap3A_721 : i32 to index
      %swap3A_725 = arith.constant 64 : index
      %swap3A_726 = tpu.vector_load %arg5[%swap3A_722, %swap3A_723, %swap3A_724, %swap3A_725] {strides = array<i32>} : memref<4x4x8x128xf32, #tpu.memory_space<vmem>>, vector<16xf32>,
      tpu.vector_store %arg5[%swap3A_722, %swap3A_723, %swap3A_724, %swap3A_725], %get3A_705 {strides = array<i32>} : memref<4x4x8x128xf32, #tpu.memory_space<vmem>>, vector<16xf32>,
      %swap3A_727 = arith.constant 2 : i32
      %swap3A_728 = arith.constant 3 : i32
      %swap3A_729 = arith.index_cast %scan3A_468 : i32 to index
      %swap3A_730 = arith.index_cast %swap3A_727 : i32 to index
      %swap3A_731 = arith.index_cast %swap3A_728 : i32 to index
      %swap3A_732 = arith.constant 64 : index
      %swap3A_733 = tpu.vector_load %arg5[%swap3A_729, %swap3A_730, %swap3A_731, %swap3A_732] {strides = array<i32>} : memref<4x4x8x128xf32, #tpu.memory_space<vmem>>, vector<16xf32>,
      tpu.vector_store %arg5[%swap3A_729, %swap3A_730, %swap3A_731, %swap3A_732], %get3A_705 {strides = array<i32>} : memref<4x4x8x128xf32, #tpu.memory_space<vmem>>, vector<16xf32>,
      %swap3A_734 = arith.constant 2 : i32
      %swap3A_735 = arith.constant 4 : i32
      %swap3A_736 = arith.index_cast %scan3A_468 : i32 to index
      %swap3A_737 = arith.index_cast %swap3A_734 : i32 to index
      %swap3A_738 = arith.index_cast %swap3A_735 : i32 to index
      %swap3A_739 = arith.constant 64 : index
      %swap3A_740 = tpu.vector_load %arg5[%swap3A_736, %swap3A_737, %swap3A_738, %swap3A_739] {strides = array<i32>} : memref<4x4x8x128xf32, #tpu.memory_space<vmem>>, vector<16xf32>,
      tpu.vector_store %arg5[%swap3A_736, %swap3A_737, %swap3A_738, %swap3A_739], %get3A_705 {strides = array<i32>} : memref<4x4x8x128xf32, #tpu.memory_space<vmem>>, vector<16xf32>,
      %swap3A_741 = arith.constant 2 : i32
      %swap3A_742 = arith.constant 5 : i32
      %swap3A_743 = arith.index_cast %scan3A_468 : i32 to index
      %swap3A_744 = arith.index_cast %swap3A_741 : i32 to index
      %swap3A_745 = arith.index_cast %swap3A_742 : i32 to index
      %swap3A_746 = arith.constant 64 : index
      %swap3A_747 = tpu.vector_load %arg5[%swap3A_743, %swap3A_744, %swap3A_745, %swap3A_746] {strides = array<i32>} : memref<4x4x8x128xf32, #tpu.memory_space<vmem>>, vector<16xf32>,
      tpu.vector_store %arg5[%swap3A_743, %swap3A_744, %swap3A_745, %swap3A_746], %get3A_705 {strides = array<i32>} : memref<4x4x8x128xf32, #tpu.memory_space<vmem>>, vector<16xf32>,
      %swap3A_748 = arith.constant 2 : i32
      %swap3A_749 = arith.constant 6 : i32
      %swap3A_750 = arith.index_cast %scan3A_468 : i32 to index
      %swap3A_751 = arith.index_cast %swap3A_748 : i32 to index
      %swap3A_752 = arith.index_cast %swap3A_749 : i32 to index
      %swap3A_753 = arith.constant 64 : index
      %swap3A_754 = tpu.vector_load %arg5[%swap3A_750, %swap3A_751, %swap3A_752, %swap3A_753] {strides = array<i32>} : memref<4x4x8x128xf32, #tpu.memory_space<vmem>>, vector<16xf32>,
      tpu.vector_store %arg5[%swap3A_750, %swap3A_751, %swap3A_752, %swap3A_753], %get3A_705 {strides = array<i32>} : memref<4x4x8x128xf32, #tpu.memory_space<vmem>>, vector<16xf32>,
      %swap3A_755 = arith.constant 2 : i32
      %swap3A_756 = arith.constant 7 : i32
      %swap3A_757 = arith.index_cast %scan3A_468 : i32 to index
      %swap3A_758 = arith.index_cast %swap3A_755 : i32 to index
      %swap3A_759 = arith.index_cast %swap3A_756 : i32 to index
      %swap3A_760 = arith.constant 64 : index
      %swap3A_761 = tpu.vector_load %arg5[%swap3A_757, %swap3A_758, %swap3A_759, %swap3A_760] {strides = array<i32>} : memref<4x4x8x128xf32, #tpu.memory_space<vmem>>, vector<16xf32>,
      tpu.vector_store %arg5[%swap3A_757, %swap3A_758, %swap3A_759, %swap3A_760], %get3A_705 {strides = array<i32>} : memref<4x4x8x128xf32, #tpu.memory_space<vmem>>, vector<16xf32>,
      %get3A_762 = arith.index_cast %add3A : i32 to index
      %get3A_763 = arith.constant 80 : index
      %get3A_764 = tpu.vector_load %arg6[%get3A_762, %get3A_763] {strides = array<i32>} : memref<32x256xf32, #tpu.memory_space<vmem>>, vector<16xf32>,
      %swap3A_765 = arith.constant 2 : i32
      %swap3A_766 = arith.constant 0 : i32
      %swap3A_767 = arith.index_cast %scan3A_468 : i32 to index
      %swap3A_768 = arith.index_cast %swap3A_765 : i32 to index
      %swap3A_769 = arith.index_cast %swap3A_766 : i32 to index
      %swap3A_770 = arith.constant 80 : index
      %swap3A_771 = tpu.vector_load %arg5[%swap3A_767, %swap3A_768, %swap3A_769, %swap3A_770] {strides = array<i32>} : memref<4x4x8x128xf32, #tpu.memory_space<vmem>>, vector<16xf32>,
      tpu.vector_store %arg5[%swap3A_767, %swap3A_768, %swap3A_769, %swap3A_770], %get3A_764 {strides = array<i32>} : memref<4x4x8x128xf32, #tpu.memory_space<vmem>>, vector<16xf32>,
      %swap3A_772 = arith.constant 2 : i32
      %swap3A_773 = arith.constant 1 : i32
      %swap3A_774 = arith.index_cast %scan3A_468 : i32 to index
      %swap3A_775 = arith.index_cast %swap3A_772 : i32 to index
      %swap3A_776 = arith.index_cast %swap3A_773 : i32 to index
      %swap3A_777 = arith.constant 80 : index
      %swap3A_778 = tpu.vector_load %arg5[%swap3A_774, %swap3A_775, %swap3A_776, %swap3A_777] {strides = array<i32>} : memref<4x4x8x128xf32, #tpu.memory_space<vmem>>, vector<16xf32>,
      tpu.vector_store %arg5[%swap3A_774, %swap3A_775, %swap3A_776, %swap3A_777], %get3A_764 {strides = array<i32>} : memref<4x4x8x128xf32, #tpu.memory_space<vmem>>, vector<16xf32>,
      %swap3A_779 = arith.constant 2 : i32
      %swap3A_780 = arith.constant 2 : i32
      %swap3A_781 = arith.index_cast %scan3A_468 : i32 to index
      %swap3A_782 = arith.index_cast %swap3A_779 : i32 to index
      %swap3A_783 = arith.index_cast %swap3A_780 : i32 to index
      %swap3A_784 = arith.constant 80 : index
      %swap3A_785 = tpu.vector_load %arg5[%swap3A_781, %swap3A_782, %swap3A_783, %swap3A_784] {strides = array<i32>} : memref<4x4x8x128xf32, #tpu.memory_space<vmem>>, vector<16xf32>,
      tpu.vector_store %arg5[%swap3A_781, %swap3A_782, %swap3A_783, %swap3A_784], %get3A_764 {strides = array<i32>} : memref<4x4x8x128xf32, #tpu.memory_space<vmem>>, vector<16xf32>,
      %swap3A_786 = arith.constant 2 : i32
      %swap3A_787 = arith.constant 3 : i32
      %swap3A_788 = arith.index_cast %scan3A_468 : i32 to index
      %swap3A_789 = arith.index_cast %swap3A_786 : i32 to index
      %swap3A_790 = arith.index_cast %swap3A_787 : i32 to index
      %swap3A_791 = arith.constant 80 : index
      %swap3A_792 = tpu.vector_load %arg5[%swap3A_788, %swap3A_789, %swap3A_790, %swap3A_791] {strides = array<i32>} : memref<4x4x8x128xf32, #tpu.memory_space<vmem>>, vector<16xf32>,
      tpu.vector_store %arg5[%swap3A_788, %swap3A_789, %swap3A_790, %swap3A_791], %get3A_764 {strides = array<i32>} : memref<4x4x8x128xf32, #tpu.memory_space<vmem>>, vector<16xf32>,
      %swap3A_793 = arith.constant 2 : i32
      %swap3A_794 = arith.constant 4 : i32
      %swap3A_795 = arith.index_cast %scan3A_468 : i32 to index
      %swap3A_796 = arith.index_cast %swap3A_793 : i32 to index
      %swap3A_797 = arith.index_cast %swap3A_794 : i32 to index
      %swap3A_798 = arith.constant 80 : index
      %swap3A_799 = tpu.vector_load %arg5[%swap3A_795, %swap3A_796, %swap3A_797, %swap3A_798] {strides = array<i32>} : memref<4x4x8x128xf32, #tpu.memory_space<vmem>>, vector<16xf32>,
      tpu.vector_store %arg5[%swap3A_795, %swap3A_796, %swap3A_797, %swap3A_798], %get3A_764 {strides = array<i32>} : memref<4x4x8x128xf32, #tpu.memory_space<vmem>>, vector<16xf32>,
      %swap3A_800 = arith.constant 2 : i32
      %swap3A_801 = arith.constant 5 : i32
      %swap3A_802 = arith.index_cast %scan3A_468 : i32 to index
      %swap3A_803 = arith.index_cast %swap3A_800 : i32 to index
      %swap3A_804 = arith.index_cast %swap3A_801 : i32 to index
      %swap3A_805 = arith.constant 80 : index
      %swap3A_806 = tpu.vector_load %arg5[%swap3A_802, %swap3A_803, %swap3A_804, %swap3A_805] {strides = array<i32>} : memref<4x4x8x128xf32, #tpu.memory_space<vmem>>, vector<16xf32>,
      tpu.vector_store %arg5[%swap3A_802, %swap3A_803, %swap3A_804, %swap3A_805], %get3A_764 {strides = array<i32>} : memref<4x4x8x128xf32, #tpu.memory_space<vmem>>, vector<16xf32>,
      %swap3A_807 = arith.constant 2 : i32
      %swap3A_808 = arith.constant 6 : i32
      %swap3A_809 = arith.index_cast %scan3A_468 : i32 to index
      %swap3A_810 = arith.index_cast %swap3A_807 : i32 to index
      %swap3A_811 = arith.index_cast %swap3A_808 : i32 to index
      %swap3A_812 = arith.constant 80 : index
      %swap3A_813 = tpu.vector_load %arg5[%swap3A_809, %swap3A_810, %swap3A_811, %swap3A_812] {strides = array<i32>} : memref<4x4x8x128xf32, #tpu.memory_space<vmem>>, vector<16xf32>,
      tpu.vector_store %arg5[%swap3A_809, %swap3A_810, %swap3A_811, %swap3A_812], %get3A_764 {strides = array<i32>} : memref<4x4x8x128xf32, #tpu.memory_space<vmem>>, vector<16xf32>,
      %swap3A_814 = arith.constant 2 : i32
      %swap3A_815 = arith.constant 7 : i32
      %swap3A_816 = arith.index_cast %scan3A_468 : i32 to index
      %swap3A_817 = arith.index_cast %swap3A_814 : i32 to index
      %swap3A_818 = arith.index_cast %swap3A_815 : i32 to index
      %swap3A_819 = arith.constant 80 : index
      %swap3A_820 = tpu.vector_load %arg5[%swap3A_816, %swap3A_817, %swap3A_818, %swap3A_819] {strides = array<i32>} : memref<4x4x8x128xf32, #tpu.memory_space<vmem>>, vector<16xf32>,
      tpu.vector_store %arg5[%swap3A_816, %swap3A_817, %swap3A_818, %swap3A_819], %get3A_764 {strides = array<i32>} : memref<4x4x8x128xf32, #tpu.memory_space<vmem>>, vector<16xf32>,
      %get3A_821 = arith.index_cast %add3A : i32 to index
      %get3A_822 = arith.constant 96 : index
      %get3A_823 = tpu.vector_load %arg6[%get3A_821, %get3A_822] {strides = array<i32>} : memref<32x256xf32, #tpu.memory_space<vmem>>, vector<16xf32>,
      %swap3A_824 = arith.constant 2 : i32
      %swap3A_825 = arith.constant 0 : i32
      %swap3A_826 = arith.index_cast %scan3A_468 : i32 to index
      %swap3A_827 = arith.index_cast %swap3A_824 : i32 to index
      %swap3A_828 = arith.index_cast %swap3A_825 : i32 to index
      %swap3A_829 = arith.constant 96 : index
      %swap3A_830 = tpu.vector_load %arg5[%swap3A_826, %swap3A_827, %swap3A_828, %swap3A_829] {strides = array<i32>} : memref<4x4x8x128xf32, #tpu.memory_space<vmem>>, vector<16xf32>,
      tpu.vector_store %arg5[%swap3A_826, %swap3A_827, %swap3A_828, %swap3A_829], %get3A_823 {strides = array<i32>} : memref<4x4x8x128xf32, #tpu.memory_space<vmem>>, vector<16xf32>,
      %swap3A_831 = arith.constant 2 : i32
      %swap3A_832 = arith.constant 1 : i32
      %swap3A_833 = arith.index_cast %scan3A_468 : i32 to index
      %swap3A_834 = arith.index_cast %swap3A_831 : i32 to index
      %swap3A_835 = arith.index_cast %swap3A_832 : i32 to index
      %swap3A_836 = arith.constant 96 : index
      %swap3A_837 = tpu.vector_load %arg5[%swap3A_833, %swap3A_834, %swap3A_835, %swap3A_836] {strides = array<i32>} : memref<4x4x8x128xf32, #tpu.memory_space<vmem>>, vector<16xf32>,
      tpu.vector_store %arg5[%swap3A_833, %swap3A_834, %swap3A_835, %swap3A_836], %get3A_823 {strides = array<i32>} : memref<4x4x8x128xf32, #tpu.memory_space<vmem>>, vector<16xf32>,
      %swap3A_838 = arith.constant 2 : i32
      %swap3A_839 = arith.constant 2 : i32
      %swap3A_840 = arith.index_cast %scan3A_468 : i32 to index
      %swap3A_841 = arith.index_cast %swap3A_838 : i32 to index
      %swap3A_842 = arith.index_cast %swap3A_839 : i32 to index
      %swap3A_843 = arith.constant 96 : index
      %swap3A_844 = tpu.vector_load %arg5[%swap3A_840, %swap3A_841, %swap3A_842, %swap3A_843] {strides = array<i32>} : memref<4x4x8x128xf32, #tpu.memory_space<vmem>>, vector<16xf32>,
      tpu.vector_store %arg5[%swap3A_840, %swap3A_841, %swap3A_842, %swap3A_843], %get3A_823 {strides = array<i32>} : memref<4x4x8x128xf32, #tpu.memory_space<vmem>>, vector<16xf32>,
      %swap3A_845 = arith.constant 2 : i32
      %swap3A_846 = arith.constant 3 : i32
      %swap3A_847 = arith.index_cast %scan3A_468 : i32 to index
      %swap3A_848 = arith.index_cast %swap3A_845 : i32 to index
      %swap3A_849 = arith.index_cast %swap3A_846 : i32 to index
      %swap3A_850 = arith.constant 96 : index
      %swap3A_851 = tpu.vector_load %arg5[%swap3A_847, %swap3A_848, %swap3A_849, %swap3A_850] {strides = array<i32>} : memref<4x4x8x128xf32, #tpu.memory_space<vmem>>, vector<16xf32>,
      tpu.vector_store %arg5[%swap3A_847, %swap3A_848, %swap3A_849, %swap3A_850], %get3A_823 {strides = array<i32>} : memref<4x4x8x128xf32, #tpu.memory_space<vmem>>, vector<16xf32>,
      %swap3A_852 = arith.constant 2 : i32
      %swap3A_853 = arith.constant 4 : i32
      %swap3A_854 = arith.index_cast %scan3A_468 : i32 to index
      %swap3A_855 = arith.index_cast %swap3A_852 : i32 to index
      %swap3A_856 = arith.index_cast %swap3A_853 : i32 to index
      %swap3A_857 = arith.constant 96 : index
      %swap3A_858 = tpu.vector_load %arg5[%swap3A_854, %swap3A_855, %swap3A_856, %swap3A_857] {strides = array<i32>} : memref<4x4x8x128xf32, #tpu.memory_space<vmem>>, vector<16xf32>,
      tpu.vector_store %arg5[%swap3A_854, %swap3A_855, %swap3A_856, %swap3A_857], %get3A_823 {strides = array<i32>} : memref<4x4x8x128xf32, #tpu.memory_space<vmem>>, vector<16xf32>,
      %swap3A_859 = arith.constant 2 : i32
      %swap3A_860 = arith.constant 5 : i32
      %swap3A_861 = arith.index_cast %scan3A_468 : i32 to index
      %swap3A_862 = arith.index_cast %swap3A_859 : i32 to index
      %swap3A_863 = arith.index_cast %swap3A_860 : i32 to index
      %swap3A_864 = arith.constant 96 : index
      %swap3A_865 = tpu.vector_load %arg5[%swap3A_861, %swap3A_862, %swap3A_863, %swap3A_864] {strides = array<i32>} : memref<4x4x8x128xf32, #tpu.memory_space<vmem>>, vector<16xf32>,
      tpu.vector_store %arg5[%swap3A_861, %swap3A_862, %swap3A_863, %swap3A_864], %get3A_823 {strides = array<i32>} : memref<4x4x8x128xf32, #tpu.memory_space<vmem>>, vector<16xf32>,
      %swap3A_866 = arith.constant 2 : i32
      %swap3A_867 = arith.constant 6 : i32
      %swap3A_868 = arith.index_cast %scan3A_468 : i32 to index
      %swap3A_869 = arith.index_cast %swap3A_866 : i32 to index
      %swap3A_870 = arith.index_cast %swap3A_867 : i32 to index
      %swap3A_871 = arith.constant 96 : index
      %swap3A_872 = tpu.vector_load %arg5[%swap3A_868, %swap3A_869, %swap3A_870, %swap3A_871] {strides = array<i32>} : memref<4x4x8x128xf32, #tpu.memory_space<vmem>>, vector<16xf32>,
      tpu.vector_store %arg5[%swap3A_868, %swap3A_869, %swap3A_870, %swap3A_871], %get3A_823 {strides = array<i32>} : memref<4x4x8x128xf32, #tpu.memory_space<vmem>>, vector<16xf32>,
      %swap3A_873 = arith.constant 2 : i32
      %swap3A_874 = arith.constant 7 : i32
      %swap3A_875 = arith.index_cast %scan3A_468 : i32 to index
      %swap3A_876 = arith.index_cast %swap3A_873 : i32 to index
      %swap3A_877 = arith.index_cast %swap3A_874 : i32 to index
      %swap3A_878 = arith.constant 96 : index
      %swap3A_879 = tpu.vector_load %arg5[%swap3A_875, %swap3A_876, %swap3A_877, %swap3A_878] {strides = array<i32>} : memref<4x4x8x128xf32, #tpu.memory_space<vmem>>, vector<16xf32>,
      tpu.vector_store %arg5[%swap3A_875, %swap3A_876, %swap3A_877, %swap3A_878], %get3A_823 {strides = array<i32>} : memref<4x4x8x128xf32, #tpu.memory_space<vmem>>, vector<16xf32>,
      %get3A_880 = arith.index_cast %add3A : i32 to index
      %get3A_881 = arith.constant 112 : index
      %get3A_882 = tpu.vector_load %arg6[%get3A_880, %get3A_881] {strides = array<i32>} : memref<32x256xf32, #tpu.memory_space<vmem>>, vector<16xf32>,
      %swap3A_883 = arith.constant 2 : i32
      %swap3A_884 = arith.constant 0 : i32
      %swap3A_885 = arith.index_cast %scan3A_468 : i32 to index
      %swap3A_886 = arith.index_cast %swap3A_883 : i32 to index
      %swap3A_887 = arith.index_cast %swap3A_884 : i32 to index
      %swap3A_888 = arith.constant 112 : index
      %swap3A_889 = tpu.vector_load %arg5[%swap3A_885, %swap3A_886, %swap3A_887, %swap3A_888] {strides = array<i32>} : memref<4x4x8x128xf32, #tpu.memory_space<vmem>>, vector<16xf32>,
      tpu.vector_store %arg5[%swap3A_885, %swap3A_886, %swap3A_887, %swap3A_888], %get3A_882 {strides = array<i32>} : memref<4x4x8x128xf32, #tpu.memory_space<vmem>>, vector<16xf32>,
      %swap3A_890 = arith.constant 2 : i32
      %swap3A_891 = arith.constant 1 : i32
      %swap3A_892 = arith.index_cast %scan3A_468 : i32 to index
      %swap3A_893 = arith.index_cast %swap3A_890 : i32 to index
      %swap3A_894 = arith.index_cast %swap3A_891 : i32 to index
      %swap3A_895 = arith.constant 112 : index
      %swap3A_896 = tpu.vector_load %arg5[%swap3A_892, %swap3A_893, %swap3A_894, %swap3A_895] {strides = array<i32>} : memref<4x4x8x128xf32, #tpu.memory_space<vmem>>, vector<16xf32>,
      tpu.vector_store %arg5[%swap3A_892, %swap3A_893, %swap3A_894, %swap3A_895], %get3A_882 {strides = array<i32>} : memref<4x4x8x128xf32, #tpu.memory_space<vmem>>, vector<16xf32>,
      %swap3A_897 = arith.constant 2 : i32
      %swap3A_898 = arith.constant 2 : i32
      %swap3A_899 = arith.index_cast %scan3A_468 : i32 to index
      %swap3A_900 = arith.index_cast %swap3A_897 : i32 to index
      %swap3A_901 = arith.index_cast %swap3A_898 : i32 to index
      %swap3A_902 = arith.constant 112 : index
      %swap3A_903 = tpu.vector_load %arg5[%swap3A_899, %swap3A_900, %swap3A_901, %swap3A_902] {strides = array<i32>} : memref<4x4x8x128xf32, #tpu.memory_space<vmem>>, vector<16xf32>,
      tpu.vector_store %arg5[%swap3A_899, %swap3A_900, %swap3A_901, %swap3A_902], %get3A_882 {strides = array<i32>} : memref<4x4x8x128xf32, #tpu.memory_space<vmem>>, vector<16xf32>,
      %swap3A_904 = arith.constant 2 : i32
      %swap3A_905 = arith.constant 3 : i32
      %swap3A_906 = arith.index_cast %scan3A_468 : i32 to index
      %swap3A_907 = arith.index_cast %swap3A_904 : i32 to index
      %swap3A_908 = arith.index_cast %swap3A_905 : i32 to index
      %swap3A_909 = arith.constant 112 : index
      %swap3A_910 = tpu.vector_load %arg5[%swap3A_906, %swap3A_907, %swap3A_908, %swap3A_909] {strides = array<i32>} : memref<4x4x8x128xf32, #tpu.memory_space<vmem>>, vector<16xf32>,
      tpu.vector_store %arg5[%swap3A_906, %swap3A_907, %swap3A_908, %swap3A_909], %get3A_882 {strides = array<i32>} : memref<4x4x8x128xf32, #tpu.memory_space<vmem>>, vector<16xf32>,
      %swap3A_911 = arith.constant 2 : i32
      %swap3A_912 = arith.constant 4 : i32
      %swap3A_913 = arith.index_cast %scan3A_468 : i32 to index
      %swap3A_914 = arith.index_cast %swap3A_911 : i32 to index
      %swap3A_915 = arith.index_cast %swap3A_912 : i32 to index
      %swap3A_916 = arith.constant 112 : index
      %swap3A_917 = tpu.vector_load %arg5[%swap3A_913, %swap3A_914, %swap3A_915, %swap3A_916] {strides = array<i32>} : memref<4x4x8x128xf32, #tpu.memory_space<vmem>>, vector<16xf32>,
      tpu.vector_store %arg5[%swap3A_913, %swap3A_914, %swap3A_915, %swap3A_916], %get3A_882 {strides = array<i32>} : memref<4x4x8x128xf32, #tpu.memory_space<vmem>>, vector<16xf32>,
      %swap3A_918 = arith.constant 2 : i32
      %swap3A_919 = arith.constant 5 : i32
      %swap3A_920 = arith.index_cast %scan3A_468 : i32 to index
      %swap3A_921 = arith.index_cast %swap3A_918 : i32 to index
      %swap3A_922 = arith.index_cast %swap3A_919 : i32 to index
      %swap3A_923 = arith.constant 112 : index
      %swap3A_924 = tpu.vector_load %arg5[%swap3A_920, %swap3A_921, %swap3A_922, %swap3A_923] {strides = array<i32>} : memref<4x4x8x128xf32, #tpu.memory_space<vmem>>, vector<16xf32>,
      tpu.vector_store %arg5[%swap3A_920, %swap3A_921, %swap3A_922, %swap3A_923], %get3A_882 {strides = array<i32>} : memref<4x4x8x128xf32, #tpu.memory_space<vmem>>, vector<16xf32>,
      %swap3A_925 = arith.constant 2 : i32
      %swap3A_926 = arith.constant 6 : i32
      %swap3A_927 = arith.index_cast %scan3A_468 : i32 to index
      %swap3A_928 = arith.index_cast %swap3A_925 : i32 to index
      %swap3A_929 = arith.index_cast %swap3A_926 : i32 to index
      %swap3A_930 = arith.constant 112 : index
      %swap3A_931 = tpu.vector_load %arg5[%swap3A_927, %swap3A_928, %swap3A_929, %swap3A_930] {strides = array<i32>} : memref<4x4x8x128xf32, #tpu.memory_space<vmem>>, vector<16xf32>,
      tpu.vector_store %arg5[%swap3A_927, %swap3A_928, %swap3A_929, %swap3A_930], %get3A_882 {strides = array<i32>} : memref<4x4x8x128xf32, #tpu.memory_space<vmem>>, vector<16xf32>,
      %swap3A_932 = arith.constant 2 : i32
      %swap3A_933 = arith.constant 7 : i32
      %swap3A_934 = arith.index_cast %scan3A_468 : i32 to index
      %swap3A_935 = arith.index_cast %swap3A_932 : i32 to index
      %swap3A_936 = arith.index_cast %swap3A_933 : i32 to index
      %swap3A_937 = arith.constant 112 : index
      %swap3A_938 = tpu.vector_load %arg5[%swap3A_934, %swap3A_935, %swap3A_936, %swap3A_937] {strides = array<i32>} : memref<4x4x8x128xf32, #tpu.memory_space<vmem>>, vector<16xf32>,
      tpu.vector_store %arg5[%swap3A_934, %swap3A_935, %swap3A_936, %swap3A_937], %get3A_882 {strides = array<i32>} : memref<4x4x8x128xf32, #tpu.memory_space<vmem>>, vector<16xf32>,
      %get3A_939 = arith.index_cast %add3A : i32 to index
      %get3A_940 = arith.constant 128 : index
      %get3A_941 = tpu.vector_load %arg6[%get3A_939, %get3A_940] {strides = array<i32>} : memref<32x256xf32, #tpu.memory_space<vmem>>, vector<16xf32>,
      %swap3A_942 = arith.constant 3 : i32
      %swap3A_943 = arith.constant 0 : i32
      %swap3A_944 = arith.index_cast %scan3A_468 : i32 to index
      %swap3A_945 = arith.index_cast %swap3A_942 : i32 to index
      %swap3A_946 = arith.index_cast %swap3A_943 : i32 to index
      %swap3A_947 = arith.constant 0 : index
      %swap3A_948 = tpu.vector_load %arg5[%swap3A_944, %swap3A_945, %swap3A_946, %swap3A_947] {strides = array<i32>} : memref<4x4x8x128xf32, #tpu.memory_space<vmem>>, vector<16xf32>,
      tpu.vector_store %arg5[%swap3A_944, %swap3A_945, %swap3A_946, %swap3A_947], %get3A_941 {strides = array<i32>} : memref<4x4x8x128xf32, #tpu.memory_space<vmem>>, vector<16xf32>,
      %swap3A_949 = arith.constant 3 : i32
      %swap3A_950 = arith.constant 1 : i32
      %swap3A_951 = arith.index_cast %scan3A_468 : i32 to index
      %swap3A_952 = arith.index_cast %swap3A_949 : i32 to index
      %swap3A_953 = arith.index_cast %swap3A_950 : i32 to index
      %swap3A_954 = arith.constant 0 : index
      %swap3A_955 = tpu.vector_load %arg5[%swap3A_951, %swap3A_952, %swap3A_953, %swap3A_954] {strides = array<i32>} : memref<4x4x8x128xf32, #tpu.memory_space<vmem>>, vector<16xf32>,
      tpu.vector_store %arg5[%swap3A_951, %swap3A_952, %swap3A_953, %swap3A_954], %get3A_941 {strides = array<i32>} : memref<4x4x8x128xf32, #tpu.memory_space<vmem>>, vector<16xf32>,
      %swap3A_956 = arith.constant 3 : i32
      %swap3A_957 = arith.constant 2 : i32
      %swap3A_958 = arith.index_cast %scan3A_468 : i32 to index
      %swap3A_959 = arith.index_cast %swap3A_956 : i32 to index
      %swap3A_960 = arith.index_cast %swap3A_957 : i32 to index
      %swap3A_961 = arith.constant 0 : index
      %swap3A_962 = tpu.vector_load %arg5[%swap3A_958, %swap3A_959, %swap3A_960, %swap3A_961] {strides = array<i32>} : memref<4x4x8x128xf32, #tpu.memory_space<vmem>>, vector<16xf32>,
      tpu.vector_store %arg5[%swap3A_958, %swap3A_959, %swap3A_960, %swap3A_961], %get3A_941 {strides = array<i32>} : memref<4x4x8x128xf32, #tpu.memory_space<vmem>>, vector<16xf32>,
      %swap3A_963 = arith.constant 3 : i32
      %swap3A_964 = arith.constant 3 : i32
      %swap3A_965 = arith.index_cast %scan3A_468 : i32 to index
      %swap3A_966 = arith.index_cast %swap3A_963 : i32 to index
      %swap3A_967 = arith.index_cast %swap3A_964 : i32 to index
      %swap3A_968 = arith.constant 0 : index
      %swap3A_969 = tpu.vector_load %arg5[%swap3A_965, %swap3A_966, %swap3A_967, %swap3A_968] {strides = array<i32>} : memref<4x4x8x128xf32, #tpu.memory_space<vmem>>, vector<16xf32>,
      tpu.vector_store %arg5[%swap3A_965, %swap3A_966, %swap3A_967, %swap3A_968], %get3A_941 {strides = array<i32>} : memref<4x4x8x128xf32, #tpu.memory_space<vmem>>, vector<16xf32>,
      %swap3A_970 = arith.constant 3 : i32
      %swap3A_971 = arith.constant 4 : i32
      %swap3A_972 = arith.index_cast %scan3A_468 : i32 to index
      %swap3A_973 = arith.index_cast %swap3A_970 : i32 to index
      %swap3A_974 = arith.index_cast %swap3A_971 : i32 to index
      %swap3A_975 = arith.constant 0 : index
      %swap3A_976 = tpu.vector_load %arg5[%swap3A_972, %swap3A_973, %swap3A_974, %swap3A_975] {strides = array<i32>} : memref<4x4x8x128xf32, #tpu.memory_space<vmem>>, vector<16xf32>,
      tpu.vector_store %arg5[%swap3A_972, %swap3A_973, %swap3A_974, %swap3A_975], %get3A_941 {strides = array<i32>} : memref<4x4x8x128xf32, #tpu.memory_space<vmem>>, vector<16xf32>,
      %swap3A_977 = arith.constant 3 : i32
      %swap3A_978 = arith.constant 5 : i32
      %swap3A_979 = arith.index_cast %scan3A_468 : i32 to index
      %swap3A_980 = arith.index_cast %swap3A_977 : i32 to index
      %swap3A_981 = arith.index_cast %swap3A_978 : i32 to index
      %swap3A_982 = arith.constant 0 : index
      %swap3A_983 = tpu.vector_load %arg5[%swap3A_979, %swap3A_980, %swap3A_981, %swap3A_982] {strides = array<i32>} : memref<4x4x8x128xf32, #tpu.memory_space<vmem>>, vector<16xf32>,
      tpu.vector_store %arg5[%swap3A_979, %swap3A_980, %swap3A_981, %swap3A_982], %get3A_941 {strides = array<i32>} : memref<4x4x8x128xf32, #tpu.memory_space<vmem>>, vector<16xf32>,
      %swap3A_984 = arith.constant 3 : i32
      %swap3A_985 = arith.constant 6 : i32
      %swap3A_986 = arith.index_cast %scan3A_468 : i32 to index
      %swap3A_987 = arith.index_cast %swap3A_984 : i32 to index
      %swap3A_988 = arith.index_cast %swap3A_985 : i32 to index
      %swap3A_989 = arith.constant 0 : index
      %swap3A_990 = tpu.vector_load %arg5[%swap3A_986, %swap3A_987, %swap3A_988, %swap3A_989] {strides = array<i32>} : memref<4x4x8x128xf32, #tpu.memory_space<vmem>>, vector<16xf32>,
      tpu.vector_store %arg5[%swap3A_986, %swap3A_987, %swap3A_988, %swap3A_989], %get3A_941 {strides = array<i32>} : memref<4x4x8x128xf32, #tpu.memory_space<vmem>>, vector<16xf32>,
      %swap3A_991 = arith.constant 3 : i32
      %swap3A_992 = arith.constant 7 : i32
      %swap3A_993 = arith.index_cast %scan3A_468 : i32 to index
      %swap3A_994 = arith.index_cast %swap3A_991 : i32 to index
      %swap3A_995 = arith.index_cast %swap3A_992 : i32 to index
      %swap3A_996 = arith.constant 0 : index
      %swap3A_997 = tpu.vector_load %arg5[%swap3A_993, %swap3A_994, %swap3A_995, %swap3A_996] {strides = array<i32>} : memref<4x4x8x128xf32, #tpu.memory_space<vmem>>, vector<16xf32>,
      tpu.vector_store %arg5[%swap3A_993, %swap3A_994, %swap3A_995, %swap3A_996], %get3A_941 {strides = array<i32>} : memref<4x4x8x128xf32, #tpu.memory_space<vmem>>, vector<16xf32>,
      %get3A_998 = arith.index_cast %add3A : i32 to index
      %get3A_999 = arith.constant 144 : index
      %get3A_1000 = tpu.vector_load %arg6[%get3A_998, %get3A_999] {strides = array<i32>} : memref<32x256xf32, #tpu.memory_space<vmem>>, vector<16xf32>,
      %swap3A_1001 = arith.constant 3 : i32
      %swap3A_1002 = arith.constant 0 : i32
      %swap3A_1003 = arith.index_cast %scan3A_468 : i32 to index
      %swap3A_1004 = arith.index_cast %swap3A_1001 : i32 to index
      %swap3A_1005 = arith.index_cast %swap3A_1002 : i32 to index
      %swap3A_1006 = arith.constant 16 : index
      %swap3A_1007 = tpu.vector_load %arg5[%swap3A_1003, %swap3A_1004, %swap3A_1005, %swap3A_1006] {strides = array<i32>} : memref<4x4x8x128xf32, #tpu.memory_space<vmem>>, vector<16xf32>,
      tpu.vector_store %arg5[%swap3A_1003, %swap3A_1004, %swap3A_1005, %swap3A_1006], %get3A_1000 {strides = array<i32>} : memref<4x4x8x128xf32, #tpu.memory_space<vmem>>, vector<16xf32>,
      %swap3A_1008 = arith.constant 3 : i32
      %swap3A_1009 = arith.constant 1 : i32
      %swap3A_1010 = arith.index_cast %scan3A_468 : i32 to index
      %swap3A_1011 = arith.index_cast %swap3A_1008 : i32 to index
      %swap3A_1012 = arith.index_cast %swap3A_1009 : i32 to index
      %swap3A_1013 = arith.constant 16 : index
      %swap3A_1014 = tpu.vector_load %arg5[%swap3A_1010, %swap3A_1011, %swap3A_1012, %swap3A_1013] {strides = array<i32>} : memref<4x4x8x128xf32, #tpu.memory_space<vmem>>, vector<16xf32>,
      tpu.vector_store %arg5[%swap3A_1010, %swap3A_1011, %swap3A_1012, %swap3A_1013], %get3A_1000 {strides = array<i32>} : memref<4x4x8x128xf32, #tpu.memory_space<vmem>>, vector<16xf32>,
      %swap3A_1015 = arith.constant 3 : i32
      %swap3A_1016 = arith.constant 2 : i32
      %swap3A_1017 = arith.index_cast %scan3A_468 : i32 to index
      %swap3A_1018 = arith.index_cast %swap3A_1015 : i32 to index
      %swap3A_1019 = arith.index_cast %swap3A_1016 : i32 to index
      %swap3A_1020 = arith.constant 16 : index
      %swap3A_1021 = tpu.vector_load %arg5[%swap3A_1017, %swap3A_1018, %swap3A_1019, %swap3A_1020] {strides = array<i32>} : memref<4x4x8x128xf32, #tpu.memory_space<vmem>>, vector<16xf32>,
      tpu.vector_store %arg5[%swap3A_1017, %swap3A_1018, %swap3A_1019, %swap3A_1020], %get3A_1000 {strides = array<i32>} : memref<4x4x8x128xf32, #tpu.memory_space<vmem>>, vector<16xf32>,
      %swap3A_1022 = arith.constant 3 : i32
      %swap3A_1023 = arith.constant 3 : i32
      %swap3A_1024 = arith.index_cast %scan3A_468 : i32 to index
      %swap3A_1025 = arith.index_cast %swap3A_1022 : i32 to index
      %swap3A_1026 = arith.index_cast %swap3A_1023 : i32 to index
      %swap3A_1027 = arith.constant 16 : index
      %swap3A_1028 = tpu.vector_load %arg5[%swap3A_1024, %swap3A_1025, %swap3A_1026, %swap3A_1027] {strides = array<i32>} : memref<4x4x8x128xf32, #tpu.memory_space<vmem>>, vector<16xf32>,
      tpu.vector_store %arg5[%swap3A_1024, %swap3A_1025, %swap3A_1026, %swap3A_1027], %get3A_1000 {strides = array<i32>} : memref<4x4x8x128xf32, #tpu.memory_space<vmem>>, vector<16xf32>,
      %swap3A_1029 = arith.constant 3 : i32
      %swap3A_1030 = arith.constant 4 : i32
      %swap3A_1031 = arith.index_cast %scan3A_468 : i32 to index
      %swap3A_1032 = arith.index_cast %swap3A_1029 : i32 to index
      %swap3A_1033 = arith.index_cast %swap3A_1030 : i32 to index
      %swap3A_1034 = arith.constant 16 : index
      %swap3A_1035 = tpu.vector_load %arg5[%swap3A_1031, %swap3A_1032, %swap3A_1033, %swap3A_1034] {strides = array<i32>} : memref<4x4x8x128xf32, #tpu.memory_space<vmem>>, vector<16xf32>,
      tpu.vector_store %arg5[%swap3A_1031, %swap3A_1032, %swap3A_1033, %swap3A_1034], %get3A_1000 {strides = array<i32>} : memref<4x4x8x128xf32, #tpu.memory_space<vmem>>, vector<16xf32>,
      %swap3A_1036 = arith.constant 3 : i32
      %swap3A_1037 = arith.constant 5 : i32
      %swap3A_1038 = arith.index_cast %scan3A_468 : i32 to index
      %swap3A_1039 = arith.index_cast %swap3A_1036 : i32 to index
      %swap3A_1040 = arith.index_cast %swap3A_1037 : i32 to index
      %swap3A_1041 = arith.constant 16 : index
      %swap3A_1042 = tpu.vector_load %arg5[%swap3A_1038, %swap3A_1039, %swap3A_1040, %swap3A_1041] {strides = array<i32>} : memref<4x4x8x128xf32, #tpu.memory_space<vmem>>, vector<16xf32>,
      tpu.vector_store %arg5[%swap3A_1038, %swap3A_1039, %swap3A_1040, %swap3A_1041], %get3A_1000 {strides = array<i32>} : memref<4x4x8x128xf32, #tpu.memory_space<vmem>>, vector<16xf32>,
      %swap3A_1043 = arith.constant 3 : i32
      %swap3A_1044 = arith.constant 6 : i32
      %swap3A_1045 = arith.index_cast %scan3A_468 : i32 to index
      %swap3A_1046 = arith.index_cast %swap3A_1043 : i32 to index
      %swap3A_1047 = arith.index_cast %swap3A_1044 : i32 to index
      %swap3A_1048 = arith.constant 16 : index
      %swap3A_1049 = tpu.vector_load %arg5[%swap3A_1045, %swap3A_1046, %swap3A_1047, %swap3A_1048] {strides = array<i32>} : memref<4x4x8x128xf32, #tpu.memory_space<vmem>>, vector<16xf32>,
      tpu.vector_store %arg5[%swap3A_1045, %swap3A_1046, %swap3A_1047, %swap3A_1048], %get3A_1000 {strides = array<i32>} : memref<4x4x8x128xf32, #tpu.memory_space<vmem>>, vector<16xf32>,
      %swap3A_1050 = arith.constant 3 : i32
      %swap3A_1051 = arith.constant 7 : i32
      %swap3A_1052 = arith.index_cast %scan3A_468 : i32 to index
      %swap3A_1053 = arith.index_cast %swap3A_1050 : i32 to index
      %swap3A_1054 = arith.index_cast %swap3A_1051 : i32 to index
      %swap3A_1055 = arith.constant 16 : index
      %swap3A_1056 = tpu.vector_load %arg5[%swap3A_1052, %swap3A_1053, %swap3A_1054, %swap3A_1055] {strides = array<i32>} : memref<4x4x8x128xf32, #tpu.memory_space<vmem>>, vector<16xf32>,
      tpu.vector_store %arg5[%swap3A_1052, %swap3A_1053, %swap3A_1054, %swap3A_1055], %get3A_1000 {strides = array<i32>} : memref<4x4x8x128xf32, #tpu.memory_space<vmem>>, vector<16xf32>,
      %get3A_1057 = arith.index_cast %add3A : i32 to index
      %get3A_1058 = arith.constant 160 : index
      %get3A_1059 = tpu.vector_load %arg6[%get3A_1057, %get3A_1058] {strides = array<i32>} : memref<32x256xf32, #tpu.memory_space<vmem>>, vector<16xf32>,
      %swap3A_1060 = arith.constant 3 : i32
      %swap3A_1061 = arith.constant 0 : i32
      %swap3A_1062 = arith.index_cast %scan3A_468 : i32 to index
      %swap3A_1063 = arith.index_cast %swap3A_1060 : i32 to index
      %swap3A_1064 = arith.index_cast %swap3A_1061 : i32 to index
      %swap3A_1065 = arith.constant 32 : index
      %swap3A_1066 = tpu.vector_load %arg5[%swap3A_1062, %swap3A_1063, %swap3A_1064, %swap3A_1065] {strides = array<i32>} : memref<4x4x8x128xf32, #tpu.memory_space<vmem>>, vector<16xf32>,
      tpu.vector_store %arg5[%swap3A_1062, %swap3A_1063, %swap3A_1064, %swap3A_1065], %get3A_1059 {strides = array<i32>} : memref<4x4x8x128xf32, #tpu.memory_space<vmem>>, vector<16xf32>,
      %swap3A_1067 = arith.constant 3 : i32
      %swap3A_1068 = arith.constant 1 : i32
      %swap3A_1069 = arith.index_cast %scan3A_468 : i32 to index
      %swap3A_1070 = arith.index_cast %swap3A_1067 : i32 to index
      %swap3A_1071 = arith.index_cast %swap3A_1068 : i32 to index
      %swap3A_1072 = arith.constant 32 : index
      %swap3A_1073 = tpu.vector_load %arg5[%swap3A_1069, %swap3A_1070, %swap3A_1071, %swap3A_1072] {strides = array<i32>} : memref<4x4x8x128xf32, #tpu.memory_space<vmem>>, vector<16xf32>,
      tpu.vector_store %arg5[%swap3A_1069, %swap3A_1070, %swap3A_1071, %swap3A_1072], %get3A_1059 {strides = array<i32>} : memref<4x4x8x128xf32, #tpu.memory_space<vmem>>, vector<16xf32>,
      %swap3A_1074 = arith.constant 3 : i32
      %swap3A_1075 = arith.constant 2 : i32
      %swap3A_1076 = arith.index_cast %scan3A_468 : i32 to index
      %swap3A_1077 = arith.index_cast %swap3A_1074 : i32 to index
      %swap3A_1078 = arith.index_cast %swap3A_1075 : i32 to index
      %swap3A_1079 = arith.constant 32 : index
      %swap3A_1080 = tpu.vector_load %arg5[%swap3A_1076, %swap3A_1077, %swap3A_1078, %swap3A_1079] {strides = array<i32>} : memref<4x4x8x128xf32, #tpu.memory_space<vmem>>, vector<16xf32>,
      tpu.vector_store %arg5[%swap3A_1076, %swap3A_1077, %swap3A_1078, %swap3A_1079], %get3A_1059 {strides = array<i32>} : memref<4x4x8x128xf32, #tpu.memory_space<vmem>>, vector<16xf32>,
      %swap3A_1081 = arith.constant 3 : i32
      %swap3A_1082 = arith.constant 3 : i32
      %swap3A_1083 = arith.index_cast %scan3A_468 : i32 to index
      %swap3A_1084 = arith.index_cast %swap3A_1081 : i32 to index
      %swap3A_1085 = arith.index_cast %swap3A_1082 : i32 to index
      %swap3A_1086 = arith.constant 32 : index
      %swap3A_1087 = tpu.vector_load %arg5[%swap3A_1083, %swap3A_1084, %swap3A_1085, %swap3A_1086] {strides = array<i32>} : memref<4x4x8x128xf32, #tpu.memory_space<vmem>>, vector<16xf32>,
      tpu.vector_store %arg5[%swap3A_1083, %swap3A_1084, %swap3A_1085, %swap3A_1086], %get3A_1059 {strides = array<i32>} : memref<4x4x8x128xf32, #tpu.memory_space<vmem>>, vector<16xf32>,
      %swap3A_1088 = arith.constant 3 : i32
      %swap3A_1089 = arith.constant 4 : i32
      %swap3A_1090 = arith.index_cast %scan3A_468 : i32 to index
      %swap3A_1091 = arith.index_cast %swap3A_1088 : i32 to index
      %swap3A_1092 = arith.index_cast %swap3A_1089 : i32 to index
      %swap3A_1093 = arith.constant 32 : index
      %swap3A_1094 = tpu.vector_load %arg5[%swap3A_1090, %swap3A_1091, %swap3A_1092, %swap3A_1093] {strides = array<i32>} : memref<4x4x8x128xf32, #tpu.memory_space<vmem>>, vector<16xf32>,
      tpu.vector_store %arg5[%swap3A_1090, %swap3A_1091, %swap3A_1092, %swap3A_1093], %get3A_1059 {strides = array<i32>} : memref<4x4x8x128xf32, #tpu.memory_space<vmem>>, vector<16xf32>,
      %swap3A_1095 = arith.constant 3 : i32
      %swap3A_1096 = arith.constant 5 : i32
      %swap3A_1097 = arith.index_cast %scan3A_468 : i32 to index
      %swap3A_1098 = arith.index_cast %swap3A_1095 : i32 to index
      %swap3A_1099 = arith.index_cast %swap3A_1096 : i32 to index
      %swap3A_1100 = arith.constant 32 : index
      %swap3A_1101 = tpu.vector_load %arg5[%swap3A_1097, %swap3A_1098, %swap3A_1099, %swap3A_1100] {strides = array<i32>} : memref<4x4x8x128xf32, #tpu.memory_space<vmem>>, vector<16xf32>,
      tpu.vector_store %arg5[%swap3A_1097, %swap3A_1098, %swap3A_1099, %swap3A_1100], %get3A_1059 {strides = array<i32>} : memref<4x4x8x128xf32, #tpu.memory_space<vmem>>, vector<16xf32>,
      %swap3A_1102 = arith.constant 3 : i32
      %swap3A_1103 = arith.constant 6 : i32
      %swap3A_1104 = arith.index_cast %scan3A_468 : i32 to index
      %swap3A_1105 = arith.index_cast %swap3A_1102 : i32 to index
      %swap3A_1106 = arith.index_cast %swap3A_1103 : i32 to index
      %swap3A_1107 = arith.constant 32 : index
      %swap3A_1108 = tpu.vector_load %arg5[%swap3A_1104, %swap3A_1105, %swap3A_1106, %swap3A_1107] {strides = array<i32>} : memref<4x4x8x128xf32, #tpu.memory_space<vmem>>, vector<16xf32>,
      tpu.vector_store %arg5[%swap3A_1104, %swap3A_1105, %swap3A_1106, %swap3A_1107], %get3A_1059 {strides = array<i32>} : memref<4x4x8x128xf32, #tpu.memory_space<vmem>>, vector<16xf32>,
      %swap3A_1109 = arith.constant 3 : i32
      %swap3A_1110 = arith.constant 7 : i32
      %swap3A_1111 = arith.index_cast %scan3A_468 : i32 to index
      %swap3A_1112 = arith.index_cast %swap3A_1109 : i32 to index
      %swap3A_1113 = arith.index_cast %swap3A_1110 : i32 to index
      %swap3A_1114 = arith.constant 32 : index
      %swap3A_1115 = tpu.vector_load %arg5[%swap3A_1111, %swap3A_1112, %swap3A_1113, %swap3A_1114] {strides = array<i32>} : memref<4x4x8x128xf32, #tpu.memory_space<vmem>>, vector<16xf32>,
      tpu.vector_store %arg5[%swap3A_1111, %swap3A_1112, %swap3A_1113, %swap3A_1114], %get3A_1059 {strides = array<i32>} : memref<4x4x8x128xf32, #tpu.memory_space<vmem>>, vector<16xf32>,
      %get3A_1116 = arith.index_cast %add3A : i32 to index
      %get3A_1117 = arith.constant 176 : index
      %get3A_1118 = tpu.vector_load %arg6[%get3A_1116, %get3A_1117] {strides = array<i32>} : memref<32x256xf32, #tpu.memory_space<vmem>>, vector<16xf32>,
      %swap3A_1119 = arith.constant 3 : i32
      %swap3A_1120 = arith.constant 0 : i32
      %swap3A_1121 = arith.index_cast %scan3A_468 : i32 to index
      %swap3A_1122 = arith.index_cast %swap3A_1119 : i32 to index
      %swap3A_1123 = arith.index_cast %swap3A_1120 : i32 to index
      %swap3A_1124 = arith.constant 48 : index
      %swap3A_1125 = tpu.vector_load %arg5[%swap3A_1121, %swap3A_1122, %swap3A_1123, %swap3A_1124] {strides = array<i32>} : memref<4x4x8x128xf32, #tpu.memory_space<vmem>>, vector<16xf32>,
      tpu.vector_store %arg5[%swap3A_1121, %swap3A_1122, %swap3A_1123, %swap3A_1124], %get3A_1118 {strides = array<i32>} : memref<4x4x8x128xf32, #tpu.memory_space<vmem>>, vector<16xf32>,
      %swap3A_1126 = arith.constant 3 : i32
      %swap3A_1127 = arith.constant 1 : i32
      %swap3A_1128 = arith.index_cast %scan3A_468 : i32 to index
      %swap3A_1129 = arith.index_cast %swap3A_1126 : i32 to index
      %swap3A_1130 = arith.index_cast %swap3A_1127 : i32 to index
      %swap3A_1131 = arith.constant 48 : index
      %swap3A_1132 = tpu.vector_load %arg5[%swap3A_1128, %swap3A_1129, %swap3A_1130, %swap3A_1131] {strides = array<i32>} : memref<4x4x8x128xf32, #tpu.memory_space<vmem>>, vector<16xf32>,
      tpu.vector_store %arg5[%swap3A_1128, %swap3A_1129, %swap3A_1130, %swap3A_1131], %get3A_1118 {strides = array<i32>} : memref<4x4x8x128xf32, #tpu.memory_space<vmem>>, vector<16xf32>,
      %swap3A_1133 = arith.constant 3 : i32
      %swap3A_1134 = arith.constant 2 : i32
      %swap3A_1135 = arith.index_cast %scan3A_468 : i32 to index
      %swap3A_1136 = arith.index_cast %swap3A_1133 : i32 to index
      %swap3A_1137 = arith.index_cast %swap3A_1134 : i32 to index
      %swap3A_1138 = arith.constant 48 : index
      %swap3A_1139 = tpu.vector_load %arg5[%swap3A_1135, %swap3A_1136, %swap3A_1137, %swap3A_1138] {strides = array<i32>} : memref<4x4x8x128xf32, #tpu.memory_space<vmem>>, vector<16xf32>,
      tpu.vector_store %arg5[%swap3A_1135, %swap3A_1136, %swap3A_1137, %swap3A_1138], %get3A_1118 {strides = array<i32>} : memref<4x4x8x128xf32, #tpu.memory_space<vmem>>, vector<16xf32>,
      %swap3A_1140 = arith.constant 3 : i32
      %swap3A_1141 = arith.constant 3 : i32
      %swap3A_1142 = arith.index_cast %scan3A_468 : i32 to index
      %swap3A_1143 = arith.index_cast %swap3A_1140 : i32 to index
      %swap3A_1144 = arith.index_cast %swap3A_1141 : i32 to index
      %swap3A_1145 = arith.constant 48 : index
      %swap3A_1146 = tpu.vector_load %arg5[%swap3A_1142, %swap3A_1143, %swap3A_1144, %swap3A_1145] {strides = array<i32>} : memref<4x4x8x128xf32, #tpu.memory_space<vmem>>, vector<16xf32>,
      tpu.vector_store %arg5[%swap3A_1142, %swap3A_1143, %swap3A_1144, %swap3A_1145], %get3A_1118 {strides = array<i32>} : memref<4x4x8x128xf32, #tpu.memory_space<vmem>>, vector<16xf32>,
      %swap3A_1147 = arith.constant 3 : i32
      %swap3A_1148 = arith.constant 4 : i32
      %swap3A_1149 = arith.index_cast %scan3A_468 : i32 to index
      %swap3A_1150 = arith.index_cast %swap3A_1147 : i32 to index
      %swap3A_1151 = arith.index_cast %swap3A_1148 : i32 to index
      %swap3A_1152 = arith.constant 48 : index
      %swap3A_1153 = tpu.vector_load %arg5[%swap3A_1149, %swap3A_1150, %swap3A_1151, %swap3A_1152] {strides = array<i32>} : memref<4x4x8x128xf32, #tpu.memory_space<vmem>>, vector<16xf32>,
      tpu.vector_store %arg5[%swap3A_1149, %swap3A_1150, %swap3A_1151, %swap3A_1152], %get3A_1118 {strides = array<i32>} : memref<4x4x8x128xf32, #tpu.memory_space<vmem>>, vector<16xf32>,
      %swap3A_1154 = arith.constant 3 : i32
      %swap3A_1155 = arith.constant 5 : i32
      %swap3A_1156 = arith.index_cast %scan3A_468 : i32 to index
      %swap3A_1157 = arith.index_cast %swap3A_1154 : i32 to index
      %swap3A_1158 = arith.index_cast %swap3A_1155 : i32 to index
      %swap3A_1159 = arith.constant 48 : index
      %swap3A_1160 = tpu.vector_load %arg5[%swap3A_1156, %swap3A_1157, %swap3A_1158, %swap3A_1159] {strides = array<i32>} : memref<4x4x8x128xf32, #tpu.memory_space<vmem>>, vector<16xf32>,
      tpu.vector_store %arg5[%swap3A_1156, %swap3A_1157, %swap3A_1158, %swap3A_1159], %get3A_1118 {strides = array<i32>} : memref<4x4x8x128xf32, #tpu.memory_space<vmem>>, vector<16xf32>,
      %swap3A_1161 = arith.constant 3 : i32
      %swap3A_1162 = arith.constant 6 : i32
      %swap3A_1163 = arith.index_cast %scan3A_468 : i32 to index
      %swap3A_1164 = arith.index_cast %swap3A_1161 : i32 to index
      %swap3A_1165 = arith.index_cast %swap3A_1162 : i32 to index
      %swap3A_1166 = arith.constant 48 : index
      %swap3A_1167 = tpu.vector_load %arg5[%swap3A_1163, %swap3A_1164, %swap3A_1165, %swap3A_1166] {strides = array<i32>} : memref<4x4x8x128xf32, #tpu.memory_space<vmem>>, vector<16xf32>,
      tpu.vector_store %arg5[%swap3A_1163, %swap3A_1164, %swap3A_1165, %swap3A_1166], %get3A_1118 {strides = array<i32>} : memref<4x4x8x128xf32, #tpu.memory_space<vmem>>, vector<16xf32>,
      %swap3A_1168 = arith.constant 3 : i32
      %swap3A_1169 = arith.constant 7 : i32
      %swap3A_1170 = arith.index_cast %scan3A_468 : i32 to index
      %swap3A_1171 = arith.index_cast %swap3A_1168 : i32 to index
      %swap3A_1172 = arith.index_cast %swap3A_1169 : i32 to index
      %swap3A_1173 = arith.constant 48 : index
      %swap3A_1174 = tpu.vector_load %arg5[%swap3A_1170, %swap3A_1171, %swap3A_1172, %swap3A_1173] {strides = array<i32>} : memref<4x4x8x128xf32, #tpu.memory_space<vmem>>, vector<16xf32>,
      tpu.vector_store %arg5[%swap3A_1170, %swap3A_1171, %swap3A_1172, %swap3A_1173], %get3A_1118 {strides = array<i32>} : memref<4x4x8x128xf32, #tpu.memory_space<vmem>>, vector<16xf32>,
      %get3A_1175 = arith.index_cast %add3A : i32 to index
      %get3A_1176 = arith.constant 192 : index
      %get3A_1177 = tpu.vector_load %arg6[%get3A_1175, %get3A_1176] {strides = array<i32>} : memref<32x256xf32, #tpu.memory_space<vmem>>, vector<16xf32>,
      %swap3A_1178 = arith.constant 3 : i32
      %swap3A_1179 = arith.constant 0 : i32
      %swap3A_1180 = arith.index_cast %scan3A_468 : i32 to index
      %swap3A_1181 = arith.index_cast %swap3A_1178 : i32 to index
      %swap3A_1182 = arith.index_cast %swap3A_1179 : i32 to index
      %swap3A_1183 = arith.constant 64 : index
      %swap3A_1184 = tpu.vector_load %arg5[%swap3A_1180, %swap3A_1181, %swap3A_1182, %swap3A_1183] {strides = array<i32>} : memref<4x4x8x128xf32, #tpu.memory_space<vmem>>, vector<16xf32>,
      tpu.vector_store %arg5[%swap3A_1180, %swap3A_1181, %swap3A_1182, %swap3A_1183], %get3A_1177 {strides = array<i32>} : memref<4x4x8x128xf32, #tpu.memory_space<vmem>>, vector<16xf32>,
      %swap3A_1185 = arith.constant 3 : i32
      %swap3A_1186 = arith.constant 1 : i32
      %swap3A_1187 = arith.index_cast %scan3A_468 : i32 to index
      %swap3A_1188 = arith.index_cast %swap3A_1185 : i32 to index
      %swap3A_1189 = arith.index_cast %swap3A_1186 : i32 to index
      %swap3A_1190 = arith.constant 64 : index
      %swap3A_1191 = tpu.vector_load %arg5[%swap3A_1187, %swap3A_1188, %swap3A_1189, %swap3A_1190] {strides = array<i32>} : memref<4x4x8x128xf32, #tpu.memory_space<vmem>>, vector<16xf32>,
      tpu.vector_store %arg5[%swap3A_1187, %swap3A_1188, %swap3A_1189, %swap3A_1190], %get3A_1177 {strides = array<i32>} : memref<4x4x8x128xf32, #tpu.memory_space<vmem>>, vector<16xf32>,
      %swap3A_1192 = arith.constant 3 : i32
      %swap3A_1193 = arith.constant 2 : i32
      %swap3A_1194 = arith.index_cast %scan3A_468 : i32 to index
      %swap3A_1195 = arith.index_cast %swap3A_1192 : i32 to index
      %swap3A_1196 = arith.index_cast %swap3A_1193 : i32 to index
      %swap3A_1197 = arith.constant 64 : index
      %swap3A_1198 = tpu.vector_load %arg5[%swap3A_1194, %swap3A_1195, %swap3A_1196, %swap3A_1197] {strides = array<i32>} : memref<4x4x8x128xf32, #tpu.memory_space<vmem>>, vector<16xf32>,
      tpu.vector_store %arg5[%swap3A_1194, %swap3A_1195, %swap3A_1196, %swap3A_1197], %get3A_1177 {strides = array<i32>} : memref<4x4x8x128xf32, #tpu.memory_space<vmem>>, vector<16xf32>,
      %swap3A_1199 = arith.constant 3 : i32
      %swap3A_1200 = arith.constant 3 : i32
      %swap3A_1201 = arith.index_cast %scan3A_468 : i32 to index
      %swap3A_1202 = arith.index_cast %swap3A_1199 : i32 to index
      %swap3A_1203 = arith.index_cast %swap3A_1200 : i32 to index
      %swap3A_1204 = arith.constant 64 : index
      %swap3A_1205 = tpu.vector_load %arg5[%swap3A_1201, %swap3A_1202, %swap3A_1203, %swap3A_1204] {strides = array<i32>} : memref<4x4x8x128xf32, #tpu.memory_space<vmem>>, vector<16xf32>,
      tpu.vector_store %arg5[%swap3A_1201, %swap3A_1202, %swap3A_1203, %swap3A_1204], %get3A_1177 {strides = array<i32>} : memref<4x4x8x128xf32, #tpu.memory_space<vmem>>, vector<16xf32>,
      %swap3A_1206 = arith.constant 3 : i32
      %swap3A_1207 = arith.constant 4 : i32
      %swap3A_1208 = arith.index_cast %scan3A_468 : i32 to index
      %swap3A_1209 = arith.index_cast %swap3A_1206 : i32 to index
      %swap3A_1210 = arith.index_cast %swap3A_1207 : i32 to index
      %swap3A_1211 = arith.constant 64 : index
      %swap3A_1212 = tpu.vector_load %arg5[%swap3A_1208, %swap3A_1209, %swap3A_1210, %swap3A_1211] {strides = array<i32>} : memref<4x4x8x128xf32, #tpu.memory_space<vmem>>, vector<16xf32>,
      tpu.vector_store %arg5[%swap3A_1208, %swap3A_1209, %swap3A_1210, %swap3A_1211], %get3A_1177 {strides = array<i32>} : memref<4x4x8x128xf32, #tpu.memory_space<vmem>>, vector<16xf32>,
      %swap3A_1213 = arith.constant 3 : i32
      %swap3A_1214 = arith.constant 5 : i32
      %swap3A_1215 = arith.index_cast %scan3A_468 : i32 to index
      %swap3A_1216 = arith.index_cast %swap3A_1213 : i32 to index
      %swap3A_1217 = arith.index_cast %swap3A_1214 : i32 to index
      %swap3A_1218 = arith.constant 64 : index
      %swap3A_1219 = tpu.vector_load %arg5[%swap3A_1215, %swap3A_1216, %swap3A_1217, %swap3A_1218] {strides = array<i32>} : memref<4x4x8x128xf32, #tpu.memory_space<vmem>>, vector<16xf32>,
      tpu.vector_store %arg5[%swap3A_1215, %swap3A_1216, %swap3A_1217, %swap3A_1218], %get3A_1177 {strides = array<i32>} : memref<4x4x8x128xf32, #tpu.memory_space<vmem>>, vector<16xf32>,
      %swap3A_1220 = arith.constant 3 : i32
      %swap3A_1221 = arith.constant 6 : i32
      %swap3A_1222 = arith.index_cast %scan3A_468 : i32 to index
      %swap3A_1223 = arith.index_cast %swap3A_1220 : i32 to index
      %swap3A_1224 = arith.index_cast %swap3A_1221 : i32 to index
      %swap3A_1225 = arith.constant 64 : index
      %swap3A_1226 = tpu.vector_load %arg5[%swap3A_1222, %swap3A_1223, %swap3A_1224, %swap3A_1225] {strides = array<i32>} : memref<4x4x8x128xf32, #tpu.memory_space<vmem>>, vector<16xf32>,
      tpu.vector_store %arg5[%swap3A_1222, %swap3A_1223, %swap3A_1224, %swap3A_1225], %get3A_1177 {strides = array<i32>} : memref<4x4x8x128xf32, #tpu.memory_space<vmem>>, vector<16xf32>,
      %swap3A_1227 = arith.constant 3 : i32
      %swap3A_1228 = arith.constant 7 : i32
      %swap3A_1229 = arith.index_cast %scan3A_468 : i32 to index
      %swap3A_1230 = arith.index_cast %swap3A_1227 : i32 to index
      %swap3A_1231 = arith.index_cast %swap3A_1228 : i32 to index
      %swap3A_1232 = arith.constant 64 : index
      %swap3A_1233 = tpu.vector_load %arg5[%swap3A_1229, %swap3A_1230, %swap3A_1231, %swap3A_1232] {strides = array<i32>} : memref<4x4x8x128xf32, #tpu.memory_space<vmem>>, vector<16xf32>,
      tpu.vector_store %arg5[%swap3A_1229, %swap3A_1230, %swap3A_1231, %swap3A_1232], %get3A_1177 {strides = array<i32>} : memref<4x4x8x128xf32, #tpu.memory_space<vmem>>, vector<16xf32>,
      %get3A_1234 = arith.index_cast %add3A : i32 to index
      %get3A_1235 = arith.constant 208 : index
      %get3A_1236 = tpu.vector_load %arg6[%get3A_1234, %get3A_1235] {strides = array<i32>} : memref<32x256xf32, #tpu.memory_space<vmem>>, vector<16xf32>,
      %swap3A_1237 = arith.constant 3 : i32
      %swap3A_1238 = arith.constant 0 : i32
      %swap3A_1239 = arith.index_cast %scan3A_468 : i32 to index
      %swap3A_1240 = arith.index_cast %swap3A_1237 : i32 to index
      %swap3A_1241 = arith.index_cast %swap3A_1238 : i32 to index
      %swap3A_1242 = arith.constant 80 : index
      %swap3A_1243 = tpu.vector_load %arg5[%swap3A_1239, %swap3A_1240, %swap3A_1241, %swap3A_1242] {strides = array<i32>} : memref<4x4x8x128xf32, #tpu.memory_space<vmem>>, vector<16xf32>,
      tpu.vector_store %arg5[%swap3A_1239, %swap3A_1240, %swap3A_1241, %swap3A_1242], %get3A_1236 {strides = array<i32>} : memref<4x4x8x128xf32, #tpu.memory_space<vmem>>, vector<16xf32>,
      %swap3A_1244 = arith.constant 3 : i32
      %swap3A_1245 = arith.constant 1 : i32
      %swap3A_1246 = arith.index_cast %scan3A_468 : i32 to index
      %swap3A_1247 = arith.index_cast %swap3A_1244 : i32 to index
      %swap3A_1248 = arith.index_cast %swap3A_1245 : i32 to index
      %swap3A_1249 = arith.constant 80 : index
      %swap3A_1250 = tpu.vector_load %arg5[%swap3A_1246, %swap3A_1247, %swap3A_1248, %swap3A_1249] {strides = array<i32>} : memref<4x4x8x128xf32, #tpu.memory_space<vmem>>, vector<16xf32>,
      tpu.vector_store %arg5[%swap3A_1246, %swap3A_1247, %swap3A_1248, %swap3A_1249], %get3A_1236 {strides = array<i32>} : memref<4x4x8x128xf32, #tpu.memory_space<vmem>>, vector<16xf32>,
      %swap3A_1251 = arith.constant 3 : i32
      %swap3A_1252 = arith.constant 2 : i32
      %swap3A_1253 = arith.index_cast %scan3A_468 : i32 to index
      %swap3A_1254 = arith.index_cast %swap3A_1251 : i32 to index
      %swap3A_1255 = arith.index_cast %swap3A_1252 : i32 to index
      %swap3A_1256 = arith.constant 80 : index
      %swap3A_1257 = tpu.vector_load %arg5[%swap3A_1253, %swap3A_1254, %swap3A_1255, %swap3A_1256] {strides = array<i32>} : memref<4x4x8x128xf32, #tpu.memory_space<vmem>>, vector<16xf32>,
      tpu.vector_store %arg5[%swap3A_1253, %swap3A_1254, %swap3A_1255, %swap3A_1256], %get3A_1236 {strides = array<i32>} : memref<4x4x8x128xf32, #tpu.memory_space<vmem>>, vector<16xf32>,
      %swap3A_1258 = arith.constant 3 : i32
      %swap3A_1259 = arith.constant 3 : i32
      %swap3A_1260 = arith.index_cast %scan3A_468 : i32 to index
      %swap3A_1261 = arith.index_cast %swap3A_1258 : i32 to index
      %swap3A_1262 = arith.index_cast %swap3A_1259 : i32 to index
      %swap3A_1263 = arith.constant 80 : index
      %swap3A_1264 = tpu.vector_load %arg5[%swap3A_1260, %swap3A_1261, %swap3A_1262, %swap3A_1263] {strides = array<i32>} : memref<4x4x8x128xf32, #tpu.memory_space<vmem>>, vector<16xf32>,
      tpu.vector_store %arg5[%swap3A_1260, %swap3A_1261, %swap3A_1262, %swap3A_1263], %get3A_1236 {strides = array<i32>} : memref<4x4x8x128xf32, #tpu.memory_space<vmem>>, vector<16xf32>,
      %swap3A_1265 = arith.constant 3 : i32
      %swap3A_1266 = arith.constant 4 : i32
      %swap3A_1267 = arith.index_cast %scan3A_468 : i32 to index
      %swap3A_1268 = arith.index_cast %swap3A_1265 : i32 to index
      %swap3A_1269 = arith.index_cast %swap3A_1266 : i32 to index
      %swap3A_1270 = arith.constant 80 : index
      %swap3A_1271 = tpu.vector_load %arg5[%swap3A_1267, %swap3A_1268, %swap3A_1269, %swap3A_1270] {strides = array<i32>} : memref<4x4x8x128xf32, #tpu.memory_space<vmem>>, vector<16xf32>,
      tpu.vector_store %arg5[%swap3A_1267, %swap3A_1268, %swap3A_1269, %swap3A_1270], %get3A_1236 {strides = array<i32>} : memref<4x4x8x128xf32, #tpu.memory_space<vmem>>, vector<16xf32>,
      %swap3A_1272 = arith.constant 3 : i32
      %swap3A_1273 = arith.constant 5 : i32
      %swap3A_1274 = arith.index_cast %scan3A_468 : i32 to index
      %swap3A_1275 = arith.index_cast %swap3A_1272 : i32 to index
      %swap3A_1276 = arith.index_cast %swap3A_1273 : i32 to index
      %swap3A_1277 = arith.constant 80 : index
      %swap3A_1278 = tpu.vector_load %arg5[%swap3A_1274, %swap3A_1275, %swap3A_1276, %swap3A_1277] {strides = array<i32>} : memref<4x4x8x128xf32, #tpu.memory_space<vmem>>, vector<16xf32>,
      tpu.vector_store %arg5[%swap3A_1274, %swap3A_1275, %swap3A_1276, %swap3A_1277], %get3A_1236 {strides = array<i32>} : memref<4x4x8x128xf32, #tpu.memory_space<vmem>>, vector<16xf32>,
      %swap3A_1279 = arith.constant 3 : i32
      %swap3A_1280 = arith.constant 6 : i32
      %swap3A_1281 = arith.index_cast %scan3A_468 : i32 to index
      %swap3A_1282 = arith.index_cast %swap3A_1279 : i32 to index
      %swap3A_1283 = arith.index_cast %swap3A_1280 : i32 to index
      %swap3A_1284 = arith.constant 80 : index
      %swap3A_1285 = tpu.vector_load %arg5[%swap3A_1281, %swap3A_1282, %swap3A_1283, %swap3A_1284] {strides = array<i32>} : memref<4x4x8x128xf32, #tpu.memory_space<vmem>>, vector<16xf32>,
      tpu.vector_store %arg5[%swap3A_1281, %swap3A_1282, %swap3A_1283, %swap3A_1284], %get3A_1236 {strides = array<i32>} : memref<4x4x8x128xf32, #tpu.memory_space<vmem>>, vector<16xf32>,
      %swap3A_1286 = arith.constant 3 : i32
      %swap3A_1287 = arith.constant 7 : i32
      %swap3A_1288 = arith.index_cast %scan3A_468 : i32 to index
      %swap3A_1289 = arith.index_cast %swap3A_1286 : i32 to index
      %swap3A_1290 = arith.index_cast %swap3A_1287 : i32 to index
      %swap3A_1291 = arith.constant 80 : index
      %swap3A_1292 = tpu.vector_load %arg5[%swap3A_1288, %swap3A_1289, %swap3A_1290, %swap3A_1291] {strides = array<i32>} : memref<4x4x8x128xf32, #tpu.memory_space<vmem>>, vector<16xf32>,
      tpu.vector_store %arg5[%swap3A_1288, %swap3A_1289, %swap3A_1290, %swap3A_1291], %get3A_1236 {strides = array<i32>} : memref<4x4x8x128xf32, #tpu.memory_space<vmem>>, vector<16xf32>,
      %get3A_1293 = arith.index_cast %add3A : i32 to index
      %get3A_1294 = arith.constant 224 : index
      %get3A_1295 = tpu.vector_load %arg6[%get3A_1293, %get3A_1294] {strides = array<i32>} : memref<32x256xf32, #tpu.memory_space<vmem>>, vector<16xf32>,
      %swap3A_1296 = arith.constant 3 : i32
      %swap3A_1297 = arith.constant 0 : i32
      %swap3A_1298 = arith.index_cast %scan3A_468 : i32 to index
      %swap3A_1299 = arith.index_cast %swap3A_1296 : i32 to index
      %swap3A_1300 = arith.index_cast %swap3A_1297 : i32 to index
      %swap3A_1301 = arith.constant 96 : index
      %swap3A_1302 = tpu.vector_load %arg5[%swap3A_1298, %swap3A_1299, %swap3A_1300, %swap3A_1301] {strides = array<i32>} : memref<4x4x8x128xf32, #tpu.memory_space<vmem>>, vector<16xf32>,
      tpu.vector_store %arg5[%swap3A_1298, %swap3A_1299, %swap3A_1300, %swap3A_1301], %get3A_1295 {strides = array<i32>} : memref<4x4x8x128xf32, #tpu.memory_space<vmem>>, vector<16xf32>,
      %swap3A_1303 = arith.constant 3 : i32
      %swap3A_1304 = arith.constant 1 : i32
      %swap3A_1305 = arith.index_cast %scan3A_468 : i32 to index
      %swap3A_1306 = arith.index_cast %swap3A_1303 : i32 to index
      %swap3A_1307 = arith.index_cast %swap3A_1304 : i32 to index
      %swap3A_1308 = arith.constant 96 : index
      %swap3A_1309 = tpu.vector_load %arg5[%swap3A_1305, %swap3A_1306, %swap3A_1307, %swap3A_1308] {strides = array<i32>} : memref<4x4x8x128xf32, #tpu.memory_space<vmem>>, vector<16xf32>,
      tpu.vector_store %arg5[%swap3A_1305, %swap3A_1306, %swap3A_1307, %swap3A_1308], %get3A_1295 {strides = array<i32>} : memref<4x4x8x128xf32, #tpu.memory_space<vmem>>, vector<16xf32>,
      %swap3A_1310 = arith.constant 3 : i32
      %swap3A_1311 = arith.constant 2 : i32
      %swap3A_1312 = arith.index_cast %scan3A_468 : i32 to index
      %swap3A_1313 = arith.index_cast %swap3A_1310 : i32 to index
      %swap3A_1314 = arith.index_cast %swap3A_1311 : i32 to index
      %swap3A_1315 = arith.constant 96 : index
      %swap3A_1316 = tpu.vector_load %arg5[%swap3A_1312, %swap3A_1313, %swap3A_1314, %swap3A_1315] {strides = array<i32>} : memref<4x4x8x128xf32, #tpu.memory_space<vmem>>, vector<16xf32>,
      tpu.vector_store %arg5[%swap3A_1312, %swap3A_1313, %swap3A_1314, %swap3A_1315], %get3A_1295 {strides = array<i32>} : memref<4x4x8x128xf32, #tpu.memory_space<vmem>>, vector<16xf32>,
      %swap3A_1317 = arith.constant 3 : i32
      %swap3A_1318 = arith.constant 3 : i32
      %swap3A_1319 = arith.index_cast %scan3A_468 : i32 to index
      %swap3A_1320 = arith.index_cast %swap3A_1317 : i32 to index
      %swap3A_1321 = arith.index_cast %swap3A_1318 : i32 to index
      %swap3A_1322 = arith.constant 96 : index
      %swap3A_1323 = tpu.vector_load %arg5[%swap3A_1319, %swap3A_1320, %swap3A_1321, %swap3A_1322] {strides = array<i32>} : memref<4x4x8x128xf32, #tpu.memory_space<vmem>>, vector<16xf32>,
      tpu.vector_store %arg5[%swap3A_1319, %swap3A_1320, %swap3A_1321, %swap3A_1322], %get3A_1295 {strides = array<i32>} : memref<4x4x8x128xf32, #tpu.memory_space<vmem>>, vector<16xf32>,
      %swap3A_1324 = arith.constant 3 : i32
      %swap3A_1325 = arith.constant 4 : i32
      %swap3A_1326 = arith.index_cast %scan3A_468 : i32 to index
      %swap3A_1327 = arith.index_cast %swap3A_1324 : i32 to index
      %swap3A_1328 = arith.index_cast %swap3A_1325 : i32 to index
      %swap3A_1329 = arith.constant 96 : index
      %swap3A_1330 = tpu.vector_load %arg5[%swap3A_1326, %swap3A_1327, %swap3A_1328, %swap3A_1329] {strides = array<i32>} : memref<4x4x8x128xf32, #tpu.memory_space<vmem>>, vector<16xf32>,
      tpu.vector_store %arg5[%swap3A_1326, %swap3A_1327, %swap3A_1328, %swap3A_1329], %get3A_1295 {strides = array<i32>} : memref<4x4x8x128xf32, #tpu.memory_space<vmem>>, vector<16xf32>,
      %swap3A_1331 = arith.constant 3 : i32
      %swap3A_1332 = arith.constant 5 : i32
      %swap3A_1333 = arith.index_cast %scan3A_468 : i32 to index
      %swap3A_1334 = arith.index_cast %swap3A_1331 : i32 to index
      %swap3A_1335 = arith.index_cast %swap3A_1332 : i32 to index
      %swap3A_1336 = arith.constant 96 : index
      %swap3A_1337 = tpu.vector_load %arg5[%swap3A_1333, %swap3A_1334, %swap3A_1335, %swap3A_1336] {strides = array<i32>} : memref<4x4x8x128xf32, #tpu.memory_space<vmem>>, vector<16xf32>,
      tpu.vector_store %arg5[%swap3A_1333, %swap3A_1334, %swap3A_1335, %swap3A_1336], %get3A_1295 {strides = array<i32>} : memref<4x4x8x128xf32, #tpu.memory_space<vmem>>, vector<16xf32>,
      %swap3A_1338 = arith.constant 3 : i32
      %swap3A_1339 = arith.constant 6 : i32
      %swap3A_1340 = arith.index_cast %scan3A_468 : i32 to index
      %swap3A_1341 = arith.index_cast %swap3A_1338 : i32 to index
      %swap3A_1342 = arith.index_cast %swap3A_1339 : i32 to index
      %swap3A_1343 = arith.constant 96 : index
      %swap3A_1344 = tpu.vector_load %arg5[%swap3A_1340, %swap3A_1341, %swap3A_1342, %swap3A_1343] {strides = array<i32>} : memref<4x4x8x128xf32, #tpu.memory_space<vmem>>, vector<16xf32>,
      tpu.vector_store %arg5[%swap3A_1340, %swap3A_1341, %swap3A_1342, %swap3A_1343], %get3A_1295 {strides = array<i32>} : memref<4x4x8x128xf32, #tpu.memory_space<vmem>>, vector<16xf32>,
      %swap3A_1345 = arith.constant 3 : i32
      %swap3A_1346 = arith.constant 7 : i32
      %swap3A_1347 = arith.index_cast %scan3A_468 : i32 to index
      %swap3A_1348 = arith.index_cast %swap3A_1345 : i32 to index
      %swap3A_1349 = arith.index_cast %swap3A_1346 : i32 to index
      %swap3A_1350 = arith.constant 96 : index
      %swap3A_1351 = tpu.vector_load %arg5[%swap3A_1347, %swap3A_1348, %swap3A_1349, %swap3A_1350] {strides = array<i32>} : memref<4x4x8x128xf32, #tpu.memory_space<vmem>>, vector<16xf32>,
      tpu.vector_store %arg5[%swap3A_1347, %swap3A_1348, %swap3A_1349, %swap3A_1350], %get3A_1295 {strides = array<i32>} : memref<4x4x8x128xf32, #tpu.memory_space<vmem>>, vector<16xf32>,
      %get3A_1352 = arith.index_cast %add3A : i32 to index
      %get3A_1353 = arith.constant 240 : index
      %get3A_1354 = tpu.vector_load %arg6[%get3A_1352, %get3A_1353] {strides = array<i32>} : memref<32x256xf32, #tpu.memory_space<vmem>>, vector<16xf32>,
      %swap3A_1355 = arith.constant 3 : i32
      %swap3A_1356 = arith.constant 0 : i32
      %swap3A_1357 = arith.index_cast %scan3A_468 : i32 to index
      %swap3A_1358 = arith.index_cast %swap3A_1355 : i32 to index
      %swap3A_1359 = arith.index_cast %swap3A_1356 : i32 to index
      %swap3A_1360 = arith.constant 112 : index
      %swap3A_1361 = tpu.vector_load %arg5[%swap3A_1357, %swap3A_1358, %swap3A_1359, %swap3A_1360] {strides = array<i32>} : memref<4x4x8x128xf32, #tpu.memory_space<vmem>>, vector<16xf32>,
      tpu.vector_store %arg5[%swap3A_1357, %swap3A_1358, %swap3A_1359, %swap3A_1360], %get3A_1354 {strides = array<i32>} : memref<4x4x8x128xf32, #tpu.memory_space<vmem>>, vector<16xf32>,
      %swap3A_1362 = arith.constant 3 : i32
      %swap3A_1363 = arith.constant 1 : i32
      %swap3A_1364 = arith.index_cast %scan3A_468 : i32 to index
      %swap3A_1365 = arith.index_cast %swap3A_1362 : i32 to index
      %swap3A_1366 = arith.index_cast %swap3A_1363 : i32 to index
      %swap3A_1367 = arith.constant 112 : index
      %swap3A_1368 = tpu.vector_load %arg5[%swap3A_1364, %swap3A_1365, %swap3A_1366, %swap3A_1367] {strides = array<i32>} : memref<4x4x8x128xf32, #tpu.memory_space<vmem>>, vector<16xf32>,
      tpu.vector_store %arg5[%swap3A_1364, %swap3A_1365, %swap3A_1366, %swap3A_1367], %get3A_1354 {strides = array<i32>} : memref<4x4x8x128xf32, #tpu.memory_space<vmem>>, vector<16xf32>,
      %swap3A_1369 = arith.constant 3 : i32
      %swap3A_1370 = arith.constant 2 : i32
      %swap3A_1371 = arith.index_cast %scan3A_468 : i32 to index
      %swap3A_1372 = arith.index_cast %swap3A_1369 : i32 to index
      %swap3A_1373 = arith.index_cast %swap3A_1370 : i32 to index
      %swap3A_1374 = arith.constant 112 : index
      %swap3A_1375 = tpu.vector_load %arg5[%swap3A_1371, %swap3A_1372, %swap3A_1373, %swap3A_1374] {strides = array<i32>} : memref<4x4x8x128xf32, #tpu.memory_space<vmem>>, vector<16xf32>,
      tpu.vector_store %arg5[%swap3A_1371, %swap3A_1372, %swap3A_1373, %swap3A_1374], %get3A_1354 {strides = array<i32>} : memref<4x4x8x128xf32, #tpu.memory_space<vmem>>, vector<16xf32>,
      %swap3A_1376 = arith.constant 3 : i32
      %swap3A_1377 = arith.constant 3 : i32
      %swap3A_1378 = arith.index_cast %scan3A_468 : i32 to index
      %swap3A_1379 = arith.index_cast %swap3A_1376 : i32 to index
      %swap3A_1380 = arith.index_cast %swap3A_1377 : i32 to index
      %swap3A_1381 = arith.constant 112 : index
      %swap3A_1382 = tpu.vector_load %arg5[%swap3A_1378, %swap3A_1379, %swap3A_1380, %swap3A_1381] {strides = array<i32>} : memref<4x4x8x128xf32, #tpu.memory_space<vmem>>, vector<16xf32>,
      tpu.vector_store %arg5[%swap3A_1378, %swap3A_1379, %swap3A_1380, %swap3A_1381], %get3A_1354 {strides = array<i32>} : memref<4x4x8x128xf32, #tpu.memory_space<vmem>>, vector<16xf32>,
      %swap3A_1383 = arith.constant 3 : i32
      %swap3A_1384 = arith.constant 4 : i32
      %swap3A_1385 = arith.index_cast %scan3A_468 : i32 to index
      %swap3A_1386 = arith.index_cast %swap3A_1383 : i32 to index
      %swap3A_1387 = arith.index_cast %swap3A_1384 : i32 to index
      %swap3A_1388 = arith.constant 112 : index
      %swap3A_1389 = tpu.vector_load %arg5[%swap3A_1385, %swap3A_1386, %swap3A_1387, %swap3A_1388] {strides = array<i32>} : memref<4x4x8x128xf32, #tpu.memory_space<vmem>>, vector<16xf32>,
      tpu.vector_store %arg5[%swap3A_1385, %swap3A_1386, %swap3A_1387, %swap3A_1388], %get3A_1354 {strides = array<i32>} : memref<4x4x8x128xf32, #tpu.memory_space<vmem>>, vector<16xf32>,
      %swap3A_1390 = arith.constant 3 : i32
      %swap3A_1391 = arith.constant 5 : i32
      %swap3A_1392 = arith.index_cast %scan3A_468 : i32 to index
      %swap3A_1393 = arith.index_cast %swap3A_1390 : i32 to index
      %swap3A_1394 = arith.index_cast %swap3A_1391 : i32 to index
      %swap3A_1395 = arith.constant 112 : index
      %swap3A_1396 = tpu.vector_load %arg5[%swap3A_1392, %swap3A_1393, %swap3A_1394, %swap3A_1395] {strides = array<i32>} : memref<4x4x8x128xf32, #tpu.memory_space<vmem>>, vector<16xf32>,
      tpu.vector_store %arg5[%swap3A_1392, %swap3A_1393, %swap3A_1394, %swap3A_1395], %get3A_1354 {strides = array<i32>} : memref<4x4x8x128xf32, #tpu.memory_space<vmem>>, vector<16xf32>,
      %swap3A_1397 = arith.constant 3 : i32
      %swap3A_1398 = arith.constant 6 : i32
      %swap3A_1399 = arith.index_cast %scan3A_468 : i32 to index
      %swap3A_1400 = arith.index_cast %swap3A_1397 : i32 to index
      %swap3A_1401 = arith.index_cast %swap3A_1398 : i32 to index
      %swap3A_1402 = arith.constant 112 : index
      %swap3A_1403 = tpu.vector_load %arg5[%swap3A_1399, %swap3A_1400, %swap3A_1401, %swap3A_1402] {strides = array<i32>} : memref<4x4x8x128xf32, #tpu.memory_space<vmem>>, vector<16xf32>,
      tpu.vector_store %arg5[%swap3A_1399, %swap3A_1400, %swap3A_1401, %swap3A_1402], %get3A_1354 {strides = array<i32>} : memref<4x4x8x128xf32, #tpu.memory_space<vmem>>, vector<16xf32>,
      %swap3A_1404 = arith.constant 3 : i32
      %swap3A_1405 = arith.constant 7 : i32
      %swap3A_1406 = arith.index_cast %scan3A_468 : i32 to index
      %swap3A_1407 = arith.index_cast %swap3A_1404 : i32 to index
      %swap3A_1408 = arith.index_cast %swap3A_1405 : i32 to index
      %swap3A_1409 = arith.constant 112 : index
      %swap3A_1410 = tpu.vector_load %arg5[%swap3A_1406, %swap3A_1407, %swap3A_1408, %swap3A_1409] {strides = array<i32>} : memref<4x4x8x128xf32, #tpu.memory_space<vmem>>, vector<16xf32>,
      tpu.vector_store %arg5[%swap3A_1406, %swap3A_1407, %swap3A_1408, %swap3A_1409], %get3A_1354 {strides = array<i32>} : memref<4x4x8x128xf32, #tpu.memory_space<vmem>>, vector<16xf32>,
    }
    %scan3A_132 = arith.constant 4 : i32
    %dma_wait3A = arith.constant 0 : i32
    %dma_wait3A_133 = arith.constant 0 : i32
    %dma_wait3A_134 = arith.constant 0 : i32
    %dma_wait3A_135 = arith.constant 0 : i32
    %dma_wait3A_136 = tpu.memref_slice %arg5[%dma_wait3A, %dma_wait3A_133, %dma_wait3A_134, %dma_wait3A_135] : memref<4x4x8x128xf32, #tpu.memory_space<vmem>> -> memref<1x1x8x128xf32, #tpu.memory_space<vmem>>
    %dma_wait3A_137 = tpu.memref_squeeze %dma_wait3A_136 : memref<1x1x8x128xf32, #tpu.memory_space<vmem>> -> memref<8x128xf32, #tpu.memory_space<vmem>>
    %dma_wait3A_138 = arith.constant 0 : i32
    %dma_wait3A_139 = arith.constant 0 : i32
    %dma_wait3A_140 = tpu.memref_slice %arg2[%dma_wait3A_138, %dma_wait3A_139] : memref<50x256xf32, #tpu.memory_space<hbm>> -> memref<8x128xf32, #tpu.memory_space<hbm>>
    %dma_wait3A_141 = arith.constant 0 : i32
    %dma_wait3A_142 = arith.constant 0 : i32
    %dma_wait3A_143 = tpu.memref_slice %arg5[%dma_wait3A, %dma_wait3A_133, %dma_wait3A_141, %dma_wait3A_142] : memref<4x4x8x128xf32, #tpu.memory_space<vmem>> -> memref<1x1x8x128xf32, #tpu.memory_space<vmem>>
    %dma_wait3A_144 = tpu.memref_squeeze %dma_wait3A_143 : memref<1x1x8x128xf32, #tpu.memory_space<vmem>> -> memref<8x128xf32, #tpu.memory_space<vmem>>
    %dma_wait3A_145 = arith.constant 0 : i32
    %dma_wait3A_146 = arith.constant 0 : i32
    %dma_wait3A_147 = tpu.memref_slice %arg2[%dma_wait3A_145, %dma_wait3A_146] : memref<50x256xf32, #tpu.memory_space<hbm>> -> memref<8x128xf32, #tpu.memory_space<hbm>>
    tpu.wait_dma2 semaphore(%arg8 : memref<!tpu.dma_semaphore, #tpu.memory_space<semaphore_mem>>) src(%dma_wait3A_147 : memref<8x128xf32, #tpu.memory_space<hbm>>) dst(%dma_wait3A_144 : memref<8x128xf32, #tpu.memory_space<vmem>>)
    %dma_wait3A_148 = arith.constant 0 : i32
    %dma_wait3A_149 = arith.constant 1 : i32
    %dma_wait3A_150 = arith.constant 0 : i32
    %dma_wait3A_151 = arith.constant 0 : i32
    %dma_wait3A_152 = tpu.memref_slice %arg5[%dma_wait3A_148, %dma_wait3A_149, %dma_wait3A_150, %dma_wait3A_151] : memref<4x4x8x128xf32, #tpu.memory_space<vmem>> -> memref<1x1x8x128xf32, #tpu.memory_space<vmem>>
    %dma_wait3A_153 = tpu.memref_squeeze %dma_wait3A_152 : memref<1x1x8x128xf32, #tpu.memory_space<vmem>> -> memref<8x128xf32, #tpu.memory_space<vmem>>
    %dma_wait3A_154 = arith.constant 0 : i32
    %dma_wait3A_155 = arith.constant 128 : i32
    %dma_wait3A_156 = tpu.memref_slice %arg2[%dma_wait3A_154, %dma_wait3A_155] : memref<50x256xf32, #tpu.memory_space<hbm>> -> memref<8x128xf32, #tpu.memory_space<hbm>>
    %dma_wait3A_157 = arith.constant 0 : i32
    %dma_wait3A_158 = arith.constant 0 : i32
    %dma_wait3A_159 = tpu.memref_slice %arg5[%dma_wait3A_148, %dma_wait3A_149, %dma_wait3A_157, %dma_wait3A_158] : memref<4x4x8x128xf32, #tpu.memory_space<vmem>> -> memref<1x1x8x128xf32, #tpu.memory_space<vmem>>
    %dma_wait3A_160 = tpu.memref_squeeze %dma_wait3A_159 : memref<1x1x8x128xf32, #tpu.memory_space<vmem>> -> memref<8x128xf32, #tpu.memory_space<vmem>>
    %dma_wait3A_161 = arith.constant 0 : i32
    %dma_wait3A_162 = arith.constant 128 : i32
    %dma_wait3A_163 = tpu.memref_slice %arg2[%dma_wait3A_161, %dma_wait3A_162] : memref<50x256xf32, #tpu.memory_space<hbm>> -> memref<8x128xf32, #tpu.memory_space<hbm>>
    tpu.wait_dma2 semaphore(%arg8 : memref<!tpu.dma_semaphore, #tpu.memory_space<semaphore_mem>>) src(%dma_wait3A_163 : memref<8x128xf32, #tpu.memory_space<hbm>>) dst(%dma_wait3A_160 : memref<8x128xf32, #tpu.memory_space<vmem>>)
    %dma_wait3A_164 = arith.constant 1 : i32
    %dma_wait3A_165 = arith.constant 0 : i32
    %dma_wait3A_166 = arith.constant 0 : i32
    %dma_wait3A_167 = arith.constant 0 : i32
    %dma_wait3A_168 = tpu.memref_slice %arg5[%dma_wait3A_164, %dma_wait3A_165, %dma_wait3A_166, %dma_wait3A_167] : memref<4x4x8x128xf32, #tpu.memory_space<vmem>> -> memref<1x1x8x128xf32, #tpu.memory_space<vmem>>
    %dma_wait3A_169 = tpu.memref_squeeze %dma_wait3A_168 : memref<1x1x8x128xf32, #tpu.memory_space<vmem>> -> memref<8x128xf32, #tpu.memory_space<vmem>>
    %dma_wait3A_170 = arith.constant 8 : i32
    %dma_wait3A_171 = arith.constant 0 : i32
    %dma_wait3A_172 = tpu.memref_slice %arg2[%dma_wait3A_170, %dma_wait3A_171] : memref<50x256xf32, #tpu.memory_space<hbm>> -> memref<8x128xf32, #tpu.memory_space<hbm>>
    %dma_wait3A_173 = arith.constant 0 : i32
    %dma_wait3A_174 = arith.constant 0 : i32
    %dma_wait3A_175 = tpu.memref_slice %arg5[%dma_wait3A_164, %dma_wait3A_165, %dma_wait3A_173, %dma_wait3A_174] : memref<4x4x8x128xf32, #tpu.memory_space<vmem>> -> memref<1x1x8x128xf32, #tpu.memory_space<vmem>>
    %dma_wait3A_176 = tpu.memref_squeeze %dma_wait3A_175 : memref<1x1x8x128xf32, #tpu.memory_space<vmem>> -> memref<8x128xf32, #tpu.memory_space<vmem>>
    %dma_wait3A_177 = arith.constant 8 : i32
    %dma_wait3A_178 = arith.constant 0 : i32
    %dma_wait3A_179 = tpu.memref_slice %arg2[%dma_wait3A_177, %dma_wait3A_178] : memref<50x256xf32, #tpu.memory_space<hbm>> -> memref<8x128xf32, #tpu.memory_space<hbm>>
    tpu.wait_dma2 semaphore(%arg8 : memref<!tpu.dma_semaphore, #tpu.memory_space<semaphore_mem>>) src(%dma_wait3A_179 : memref<8x128xf32, #tpu.memory_space<hbm>>) dst(%dma_wait3A_176 : memref<8x128xf32, #tpu.memory_space<vmem>>)
    %dma_wait3A_180 = arith.constant 1 : i32
    %dma_wait3A_181 = arith.constant 1 : i32
    %dma_wait3A_182 = arith.constant 0 : i32
    %dma_wait3A_183 = arith.constant 0 : i32
    %dma_wait3A_184 = tpu.memref_slice %arg5[%dma_wait3A_180, %dma_wait3A_181, %dma_wait3A_182, %dma_wait3A_183] : memref<4x4x8x128xf32, #tpu.memory_space<vmem>> -> memref<1x1x8x128xf32, #tpu.memory_space<vmem>>
    %dma_wait3A_185 = tpu.memref_squeeze %dma_wait3A_184 : memref<1x1x8x128xf32, #tpu.memory_space<vmem>> -> memref<8x128xf32, #tpu.memory_space<vmem>>
    %dma_wait3A_186 = arith.constant 8 : i32
    %dma_wait3A_187 = arith.constant 128 : i32
    %dma_wait3A_188 = tpu.memref_slice %arg2[%dma_wait3A_186, %dma_wait3A_187] : memref<50x256xf32, #tpu.memory_space<hbm>> -> memref<8x128xf32, #tpu.memory_space<hbm>>
    %dma_wait3A_189 = arith.constant 0 : i32
    %dma_wait3A_190 = arith.constant 0 : i32
    %dma_wait3A_191 = tpu.memref_slice %arg5[%dma_wait3A_180, %dma_wait3A_181, %dma_wait3A_189, %dma_wait3A_190] : memref<4x4x8x128xf32, #tpu.memory_space<vmem>> -> memref<1x1x8x128xf32, #tpu.memory_space<vmem>>
    %dma_wait3A_192 = tpu.memref_squeeze %dma_wait3A_191 : memref<1x1x8x128xf32, #tpu.memory_space<vmem>> -> memref<8x128xf32, #tpu.memory_space<vmem>>
    %dma_wait3A_193 = arith.constant 8 : i32
    %dma_wait3A_194 = arith.constant 128 : i32
    %dma_wait3A_195 = tpu.memref_slice %arg2[%dma_wait3A_193, %dma_wait3A_194] : memref<50x256xf32, #tpu.memory_space<hbm>> -> memref<8x128xf32, #tpu.memory_space<hbm>>
    tpu.wait_dma2 semaphore(%arg8 : memref<!tpu.dma_semaphore, #tpu.memory_space<semaphore_mem>>) src(%dma_wait3A_195 : memref<8x128xf32, #tpu.memory_space<hbm>>) dst(%dma_wait3A_192 : memref<8x128xf32, #tpu.memory_space<vmem>>)
    %dma_wait3A_196 = arith.constant 2 : i32
    %dma_wait3A_197 = arith.constant 0 : i32
    %dma_wait3A_198 = arith.constant 0 : i32
    %dma_wait3A_199 = arith.constant 0 : i32
    %dma_wait3A_200 = tpu.memref_slice %arg5[%dma_wait3A_196, %dma_wait3A_197, %dma_wait3A_198, %dma_wait3A_199] : memref<4x4x8x128xf32, #tpu.memory_space<vmem>> -> memref<1x1x8x128xf32, #tpu.memory_space<vmem>>
    %dma_wait3A_201 = tpu.memref_squeeze %dma_wait3A_200 : memref<1x1x8x128xf32, #tpu.memory_space<vmem>> -> memref<8x128xf32, #tpu.memory_space<vmem>>
    %dma_wait3A_202 = arith.constant 16 : i32
    %dma_wait3A_203 = arith.constant 0 : i32
    %dma_wait3A_204 = tpu.memref_slice %arg2[%dma_wait3A_202, %dma_wait3A_203] : memref<50x256xf32, #tpu.memory_space<hbm>> -> memref<8x128xf32, #tpu.memory_space<hbm>>
    %dma_wait3A_205 = arith.constant 0 : i32
    %dma_wait3A_206 = arith.constant 0 : i32
    %dma_wait3A_207 = tpu.memref_slice %arg5[%dma_wait3A_196, %dma_wait3A_197, %dma_wait3A_205, %dma_wait3A_206] : memref<4x4x8x128xf32, #tpu.memory_space<vmem>> -> memref<1x1x8x128xf32, #tpu.memory_space<vmem>>
    %dma_wait3A_208 = tpu.memref_squeeze %dma_wait3A_207 : memref<1x1x8x128xf32, #tpu.memory_space<vmem>> -> memref<8x128xf32, #tpu.memory_space<vmem>>
    %dma_wait3A_209 = arith.constant 16 : i32
    %dma_wait3A_210 = arith.constant 0 : i32
    %dma_wait3A_211 = tpu.memref_slice %arg2[%dma_wait3A_209, %dma_wait3A_210] : memref<50x256xf32, #tpu.memory_space<hbm>> -> memref<8x128xf32, #tpu.memory_space<hbm>>
    tpu.wait_dma2 semaphore(%arg8 : memref<!tpu.dma_semaphore, #tpu.memory_space<semaphore_mem>>) src(%dma_wait3A_211 : memref<8x128xf32, #tpu.memory_space<hbm>>) dst(%dma_wait3A_208 : memref<8x128xf32, #tpu.memory_space<vmem>>)
    %dma_wait3A_212 = arith.constant 2 : i32
    %dma_wait3A_213 = arith.constant 1 : i32
    %dma_wait3A_214 = arith.constant 0 : i32
    %dma_wait3A_215 = arith.constant 0 : i32
    %dma_wait3A_216 = tpu.memref_slice %arg5[%dma_wait3A_212, %dma_wait3A_213, %dma_wait3A_214, %dma_wait3A_215] : memref<4x4x8x128xf32, #tpu.memory_space<vmem>> -> memref<1x1x8x128xf32, #tpu.memory_space<vmem>>
    %dma_wait3A_217 = tpu.memref_squeeze %dma_wait3A_216 : memref<1x1x8x128xf32, #tpu.memory_space<vmem>> -> memref<8x128xf32, #tpu.memory_space<vmem>>
    %dma_wait3A_218 = arith.constant 16 : i32
    %dma_wait3A_219 = arith.constant 128 : i32
    %dma_wait3A_220 = tpu.memref_slice %arg2[%dma_wait3A_218, %dma_wait3A_219] : memref<50x256xf32, #tpu.memory_space<hbm>> -> memref<8x128xf32, #tpu.memory_space<hbm>>
    %dma_wait3A_221 = arith.constant 0 : i32
    %dma_wait3A_222 = arith.constant 0 : i32
    %dma_wait3A_223 = tpu.memref_slice %arg5[%dma_wait3A_212, %dma_wait3A_213, %dma_wait3A_221, %dma_wait3A_222] : memref<4x4x8x128xf32, #tpu.memory_space<vmem>> -> memref<1x1x8x128xf32, #tpu.memory_space<vmem>>
    %dma_wait3A_224 = tpu.memref_squeeze %dma_wait3A_223 : memref<1x1x8x128xf32, #tpu.memory_space<vmem>> -> memref<8x128xf32, #tpu.memory_space<vmem>>
    %dma_wait3A_225 = arith.constant 16 : i32
    %dma_wait3A_226 = arith.constant 128 : i32
    %dma_wait3A_227 = tpu.memref_slice %arg2[%dma_wait3A_225, %dma_wait3A_226] : memref<50x256xf32, #tpu.memory_space<hbm>> -> memref<8x128xf32, #tpu.memory_space<hbm>>
    tpu.wait_dma2 semaphore(%arg8 : memref<!tpu.dma_semaphore, #tpu.memory_space<semaphore_mem>>) src(%dma_wait3A_227 : memref<8x128xf32, #tpu.memory_space<hbm>>) dst(%dma_wait3A_224 : memref<8x128xf32, #tpu.memory_space<vmem>>)
    %dma_wait3A_228 = arith.constant 3 : i32
    %dma_wait3A_229 = arith.constant 0 : i32
    %dma_wait3A_230 = arith.constant 0 : i32
    %dma_wait3A_231 = arith.constant 0 : i32
    %dma_wait3A_232 = tpu.memref_slice %arg5[%dma_wait3A_228, %dma_wait3A_229, %dma_wait3A_230, %dma_wait3A_231] : memref<4x4x8x128xf32, #tpu.memory_space<vmem>> -> memref<1x1x8x128xf32, #tpu.memory_space<vmem>>
    %dma_wait3A_233 = tpu.memref_squeeze %dma_wait3A_232 : memref<1x1x8x128xf32, #tpu.memory_space<vmem>> -> memref<8x128xf32, #tpu.memory_space<vmem>>
    %dma_wait3A_234 = arith.constant 24 : i32
    %dma_wait3A_235 = arith.constant 0 : i32
    %dma_wait3A_236 = tpu.memref_slice %arg2[%dma_wait3A_234, %dma_wait3A_235] : memref<50x256xf32, #tpu.memory_space<hbm>> -> memref<8x128xf32, #tpu.memory_space<hbm>>
    %dma_wait3A_237 = arith.constant 0 : i32
    %dma_wait3A_238 = arith.constant 0 : i32
    %dma_wait3A_239 = tpu.memref_slice %arg5[%dma_wait3A_228, %dma_wait3A_229, %dma_wait3A_237, %dma_wait3A_238] : memref<4x4x8x128xf32, #tpu.memory_space<vmem>> -> memref<1x1x8x128xf32, #tpu.memory_space<vmem>>
    %dma_wait3A_240 = tpu.memref_squeeze %dma_wait3A_239 : memref<1x1x8x128xf32, #tpu.memory_space<vmem>> -> memref<8x128xf32, #tpu.memory_space<vmem>>
    %dma_wait3A_241 = arith.constant 24 : i32
    %dma_wait3A_242 = arith.constant 0 : i32
    %dma_wait3A_243 = tpu.memref_slice %arg2[%dma_wait3A_241, %dma_wait3A_242] : memref<50x256xf32, #tpu.memory_space<hbm>> -> memref<8x128xf32, #tpu.memory_space<hbm>>
    tpu.wait_dma2 semaphore(%arg8 : memref<!tpu.dma_semaphore, #tpu.memory_space<semaphore_mem>>) src(%dma_wait3A_243 : memref<8x128xf32, #tpu.memory_space<hbm>>) dst(%dma_wait3A_240 : memref<8x128xf32, #tpu.memory_space<vmem>>)
    %dma_wait3A_244 = arith.constant 3 : i32
    %dma_wait3A_245 = arith.constant 1 : i32
    %dma_wait3A_246 = arith.constant 0 : i32
    %dma_wait3A_247 = arith.constant 0 : i32
    %dma_wait3A_248 = tpu.memref_slice %arg5[%dma_wait3A_244, %dma_wait3A_245, %dma_wait3A_246, %dma_wait3A_247] : memref<4x4x8x128xf32, #tpu.memory_space<vmem>> -> memref<1x1x8x128xf32, #tpu.memory_space<vmem>>
    %dma_wait3A_249 = tpu.memref_squeeze %dma_wait3A_248 : memref<1x1x8x128xf32, #tpu.memory_space<vmem>> -> memref<8x128xf32, #tpu.memory_space<vmem>>
    %dma_wait3A_250 = arith.constant 24 : i32
    %dma_wait3A_251 = arith.constant 128 : i32
    %dma_wait3A_252 = tpu.memref_slice %arg2[%dma_wait3A_250, %dma_wait3A_251] : memref<50x256xf32, #tpu.memory_space<hbm>> -> memref<8x128xf32, #tpu.memory_space<hbm>>
    %dma_wait3A_253 = arith.constant 0 : i32
    %dma_wait3A_254 = arith.constant 0 : i32
    %dma_wait3A_255 = tpu.memref_slice %arg5[%dma_wait3A_244, %dma_wait3A_245, %dma_wait3A_253, %dma_wait3A_254] : memref<4x4x8x128xf32, #tpu.memory_space<vmem>> -> memref<1x1x8x128xf32, #tpu.memory_space<vmem>>
    %dma_wait3A_256 = tpu.memref_squeeze %dma_wait3A_255 : memref<1x1x8x128xf32, #tpu.memory_space<vmem>> -> memref<8x128xf32, #tpu.memory_space<vmem>>
    %dma_wait3A_257 = arith.constant 24 : i32
    %dma_wait3A_258 = arith.constant 128 : i32
    %dma_wait3A_259 = tpu.memref_slice %arg2[%dma_wait3A_257, %dma_wait3A_258] : memref<50x256xf32, #tpu.memory_space<hbm>> -> memref<8x128xf32, #tpu.memory_space<hbm>>
    tpu.wait_dma2 semaphore(%arg8 : memref<!tpu.dma_semaphore, #tpu.memory_space<semaphore_mem>>) src(%dma_wait3A_259 : memref<8x128xf32, #tpu.memory_space<hbm>>) dst(%dma_wait3A_256 : memref<8x128xf32, #tpu.memory_space<vmem>>)
    %dma_start3A_260 = arith.constant 0 : i32
    %dma_start3A_261 = arith.constant 0 : i32
    %dma_start3A_262 = arith.constant 0 : i32
    %dma_start3A_263 = arith.constant 0 : i32
    %dma_start3A_264 = arith.constant 0 : i32
    %dma_start3A_265 = tpu.memref_slice %arg4[%dma_start3A_260, %add3A, %dma_start3A_261, %dma_start3A_262, %dma_start3A_263, %dma_start3A_264] : memref<8x32x4x4x8x128xf32, #tpu.memory_space<hbm>> -> memref<1x1x4x4x8x128xf32, #tpu.memory_space<hbm>>
    %dma_start3A_266 = tpu.memref_squeeze %dma_start3A_265 : memref<1x1x4x4x8x128xf32, #tpu.memory_space<hbm>> -> memref<4x4x8x128xf32, #tpu.memory_space<hbm>>
    %dma_start3A_267 = arith.constant 0 : i32
    %dma_start3A_268 = arith.constant 0 : i32
    %dma_start3A_269 = arith.constant 0 : i32
    %dma_start3A_270 = arith.constant 0 : i32
    %dma_start3A_271 = tpu.memref_slice %arg4[%dma_start3A_260, %add3A, %dma_start3A_267, %dma_start3A_268, %dma_start3A_269, %dma_start3A_270] : memref<8x32x4x4x8x128xf32, #tpu.memory_space<hbm>> -> memref<1x1x4x4x8x128xf32, #tpu.memory_space<hbm>>
    %dma_start3A_272 = tpu.memref_squeeze %dma_start3A_271 : memref<1x1x4x4x8x128xf32, #tpu.memory_space<hbm>> -> memref<4x4x8x128xf32, #tpu.memory_space<hbm>>
    tpu.enqueue_dma source(%arg5 : memref<4x4x8x128xf32, #tpu.memory_space<vmem>>) target(%dma_start3A_272 : memref<4x4x8x128xf32, #tpu.memory_space<hbm>>) target_semaphore(%arg7 : memref<!tpu.dma_semaphore, #tpu.memory_space<semaphore_mem>>)
    %dma_start3A_273 = arith.constant 1 : i32
    %dma_start3A_274 = arith.constant 0 : i32
    %dma_start3A_275 = arith.constant 0 : i32
    %dma_start3A_276 = arith.constant 0 : i32
    %dma_start3A_277 = arith.constant 0 : i32
    %dma_start3A_278 = tpu.memref_slice %arg4[%dma_start3A_273, %add3A, %dma_start3A_274, %dma_start3A_275, %dma_start3A_276, %dma_start3A_277] : memref<8x32x4x4x8x128xf32, #tpu.memory_space<hbm>> -> memref<1x1x4x4x8x128xf32, #tpu.memory_space<hbm>>
    %dma_start3A_279 = tpu.memref_squeeze %dma_start3A_278 : memref<1x1x4x4x8x128xf32, #tpu.memory_space<hbm>> -> memref<4x4x8x128xf32, #tpu.memory_space<hbm>>
    %dma_start3A_280 = arith.constant 0 : i32
    %dma_start3A_281 = arith.constant 0 : i32
    %dma_start3A_282 = arith.constant 0 : i32
    %dma_start3A_283 = arith.constant 0 : i32
    %dma_start3A_284 = tpu.memref_slice %arg4[%dma_start3A_273, %add3A, %dma_start3A_280, %dma_start3A_281, %dma_start3A_282, %dma_start3A_283] : memref<8x32x4x4x8x128xf32, #tpu.memory_space<hbm>> -> memref<1x1x4x4x8x128xf32, #tpu.memory_space<hbm>>
    %dma_start3A_285 = tpu.memref_squeeze %dma_start3A_284 : memref<1x1x4x4x8x128xf32, #tpu.memory_space<hbm>> -> memref<4x4x8x128xf32, #tpu.memory_space<hbm>>
    tpu.enqueue_dma source(%arg5 : memref<4x4x8x128xf32, #tpu.memory_space<vmem>>) target(%dma_start3A_285 : memref<4x4x8x128xf32, #tpu.memory_space<hbm>>) target_semaphore(%arg7 : memref<!tpu.dma_semaphore, #tpu.memory_space<semaphore_mem>>)
    %dma_start3A_286 = arith.constant 2 : i32
    %dma_start3A_287 = arith.constant 0 : i32
    %dma_start3A_288 = arith.constant 0 : i32
    %dma_start3A_289 = arith.constant 0 : i32
    %dma_start3A_290 = arith.constant 0 : i32
    %dma_start3A_291 = tpu.memref_slice %arg4[%dma_start3A_286, %add3A, %dma_start3A_287, %dma_start3A_288, %dma_start3A_289, %dma_start3A_290] : memref<8x32x4x4x8x128xf32, #tpu.memory_space<hbm>> -> memref<1x1x4x4x8x128xf32, #tpu.memory_space<hbm>>
    %dma_start3A_292 = tpu.memref_squeeze %dma_start3A_291 : memref<1x1x4x4x8x128xf32, #tpu.memory_space<hbm>> -> memref<4x4x8x128xf32, #tpu.memory_space<hbm>>
    %dma_start3A_293 = arith.constant 0 : i32
    %dma_start3A_294 = arith.constant 0 : i32
    %dma_start3A_295 = arith.constant 0 : i32
    %dma_start3A_296 = arith.constant 0 : i32
    %dma_start3A_297 = tpu.memref_slice %arg4[%dma_start3A_286, %add3A, %dma_start3A_293, %dma_start3A_294, %dma_start3A_295, %dma_start3A_296] : memref<8x32x4x4x8x128xf32, #tpu.memory_space<hbm>> -> memref<1x1x4x4x8x128xf32, #tpu.memory_space<hbm>>
    %dma_start3A_298 = tpu.memref_squeeze %dma_start3A_297 : memref<1x1x4x4x8x128xf32, #tpu.memory_space<hbm>> -> memref<4x4x8x128xf32, #tpu.memory_space<hbm>>
    tpu.enqueue_dma source(%arg5 : memref<4x4x8x128xf32, #tpu.memory_space<vmem>>) target(%dma_start3A_298 : memref<4x4x8x128xf32, #tpu.memory_space<hbm>>) target_semaphore(%arg7 : memref<!tpu.dma_semaphore, #tpu.memory_space<semaphore_mem>>)
    %dma_start3A_299 = arith.constant 3 : i32
    %dma_start3A_300 = arith.constant 0 : i32
    %dma_start3A_301 = arith.constant 0 : i32
    %dma_start3A_302 = arith.constant 0 : i32
    %dma_start3A_303 = arith.constant 0 : i32
    %dma_start3A_304 = tpu.memref_slice %arg4[%dma_start3A_299, %add3A, %dma_start3A_300, %dma_start3A_301, %dma_start3A_302, %dma_start3A_303] : memref<8x32x4x4x8x128xf32, #tpu.memory_space<hbm>> -> memref<1x1x4x4x8x128xf32, #tpu.memory_space<hbm>>
    %dma_start3A_305 = tpu.memref_squeeze %dma_start3A_304 : memref<1x1x4x4x8x128xf32, #tpu.memory_space<hbm>> -> memref<4x4x8x128xf32, #tpu.memory_space<hbm>>
    %dma_start3A_306 = arith.constant 0 : i32
    %dma_start3A_307 = arith.constant 0 : i32
    %dma_start3A_308 = arith.constant 0 : i32
    %dma_start3A_309 = arith.constant 0 : i32
    %dma_start3A_310 = tpu.memref_slice %arg4[%dma_start3A_299, %add3A, %dma_start3A_306, %dma_start3A_307, %dma_start3A_308, %dma_start3A_309] : memref<8x32x4x4x8x128xf32, #tpu.memory_space<hbm>> -> memref<1x1x4x4x8x128xf32, #tpu.memory_space<hbm>>
    %dma_start3A_311 = tpu.memref_squeeze %dma_start3A_310 : memref<1x1x4x4x8x128xf32, #tpu.memory_space<hbm>> -> memref<4x4x8x128xf32, #tpu.memory_space<hbm>>
    tpu.enqueue_dma source(%arg5 : memref<4x4x8x128xf32, #tpu.memory_space<vmem>>) target(%dma_start3A_311 : memref<4x4x8x128xf32, #tpu.memory_space<hbm>>) target_semaphore(%arg7 : memref<!tpu.dma_semaphore, #tpu.memory_space<semaphore_mem>>)
    %dma_start3A_312 = arith.constant 4 : i32
    %dma_start3A_313 = arith.constant 0 : i32
    %dma_start3A_314 = arith.constant 0 : i32
    %dma_start3A_315 = arith.constant 0 : i32
    %dma_start3A_316 = arith.constant 0 : i32
    %dma_start3A_317 = tpu.memref_slice %arg4[%dma_start3A_312, %add3A, %dma_start3A_313, %dma_start3A_314, %dma_start3A_315, %dma_start3A_316] : memref<8x32x4x4x8x128xf32, #tpu.memory_space<hbm>> -> memref<1x1x4x4x8x128xf32, #tpu.memory_space<hbm>>
    %dma_start3A_318 = tpu.memref_squeeze %dma_start3A_317 : memref<1x1x4x4x8x128xf32, #tpu.memory_space<hbm>> -> memref<4x4x8x128xf32, #tpu.memory_space<hbm>>
    %dma_start3A_319 = arith.constant 0 : i32
    %dma_start3A_320 = arith.constant 0 : i32
    %dma_start3A_321 = arith.constant 0 : i32
    %dma_start3A_322 = arith.constant 0 : i32
    %dma_start3A_323 = tpu.memref_slice %arg4[%dma_start3A_312, %add3A, %dma_start3A_319, %dma_start3A_320, %dma_start3A_321, %dma_start3A_322] : memref<8x32x4x4x8x128xf32, #tpu.memory_space<hbm>> -> memref<1x1x4x4x8x128xf32, #tpu.memory_space<hbm>>
    %dma_start3A_324 = tpu.memref_squeeze %dma_start3A_323 : memref<1x1x4x4x8x128xf32, #tpu.memory_space<hbm>> -> memref<4x4x8x128xf32, #tpu.memory_space<hbm>>
    tpu.enqueue_dma source(%arg5 : memref<4x4x8x128xf32, #tpu.memory_space<vmem>>) target(%dma_start3A_324 : memref<4x4x8x128xf32, #tpu.memory_space<hbm>>) target_semaphore(%arg7 : memref<!tpu.dma_semaphore, #tpu.memory_space<semaphore_mem>>)
    %dma_start3A_325 = arith.constant 5 : i32
    %dma_start3A_326 = arith.constant 0 : i32
    %dma_start3A_327 = arith.constant 0 : i32
    %dma_start3A_328 = arith.constant 0 : i32
    %dma_start3A_329 = arith.constant 0 : i32
    %dma_start3A_330 = tpu.memref_slice %arg4[%dma_start3A_325, %add3A, %dma_start3A_326, %dma_start3A_327, %dma_start3A_328, %dma_start3A_329] : memref<8x32x4x4x8x128xf32, #tpu.memory_space<hbm>> -> memref<1x1x4x4x8x128xf32, #tpu.memory_space<hbm>>
    %dma_start3A_331 = tpu.memref_squeeze %dma_start3A_330 : memref<1x1x4x4x8x128xf32, #tpu.memory_space<hbm>> -> memref<4x4x8x128xf32, #tpu.memory_space<hbm>>
    %dma_start3A_332 = arith.constant 0 : i32
    %dma_start3A_333 = arith.constant 0 : i32
    %dma_start3A_334 = arith.constant 0 : i32
    %dma_start3A_335 = arith.constant 0 : i32
    %dma_start3A_336 = tpu.memref_slice %arg4[%dma_start3A_325, %add3A, %dma_start3A_332, %dma_start3A_333, %dma_start3A_334, %dma_start3A_335] : memref<8x32x4x4x8x128xf32, #tpu.memory_space<hbm>> -> memref<1x1x4x4x8x128xf32, #tpu.memory_space<hbm>>
    %dma_start3A_337 = tpu.memref_squeeze %dma_start3A_336 : memref<1x1x4x4x8x128xf32, #tpu.memory_space<hbm>> -> memref<4x4x8x128xf32, #tpu.memory_space<hbm>>
    tpu.enqueue_dma source(%arg5 : memref<4x4x8x128xf32, #tpu.memory_space<vmem>>) target(%dma_start3A_337 : memref<4x4x8x128xf32, #tpu.memory_space<hbm>>) target_semaphore(%arg7 : memref<!tpu.dma_semaphore, #tpu.memory_space<semaphore_mem>>)
    %dma_start3A_338 = arith.constant 6 : i32
    %dma_start3A_339 = arith.constant 0 : i32
    %dma_start3A_340 = arith.constant 0 : i32
    %dma_start3A_341 = arith.constant 0 : i32
    %dma_start3A_342 = arith.constant 0 : i32
    %dma_start3A_343 = tpu.memref_slice %arg4[%dma_start3A_338, %add3A, %dma_start3A_339, %dma_start3A_340, %dma_start3A_341, %dma_start3A_342] : memref<8x32x4x4x8x128xf32, #tpu.memory_space<hbm>> -> memref<1x1x4x4x8x128xf32, #tpu.memory_space<hbm>>
    %dma_start3A_344 = tpu.memref_squeeze %dma_start3A_343 : memref<1x1x4x4x8x128xf32, #tpu.memory_space<hbm>> -> memref<4x4x8x128xf32, #tpu.memory_space<hbm>>
    %dma_start3A_345 = arith.constant 0 : i32
    %dma_start3A_346 = arith.constant 0 : i32
    %dma_start3A_347 = arith.constant 0 : i32
    %dma_start3A_348 = arith.constant 0 : i32
    %dma_start3A_349 = tpu.memref_slice %arg4[%dma_start3A_338, %add3A, %dma_start3A_345, %dma_start3A_346, %dma_start3A_347, %dma_start3A_348] : memref<8x32x4x4x8x128xf32, #tpu.memory_space<hbm>> -> memref<1x1x4x4x8x128xf32, #tpu.memory_space<hbm>>
    %dma_start3A_350 = tpu.memref_squeeze %dma_start3A_349 : memref<1x1x4x4x8x128xf32, #tpu.memory_space<hbm>> -> memref<4x4x8x128xf32, #tpu.memory_space<hbm>>
    tpu.enqueue_dma source(%arg5 : memref<4x4x8x128xf32, #tpu.memory_space<vmem>>) target(%dma_start3A_350 : memref<4x4x8x128xf32, #tpu.memory_space<hbm>>) target_semaphore(%arg7 : memref<!tpu.dma_semaphore, #tpu.memory_space<semaphore_mem>>)
    %dma_start3A_351 = arith.constant 7 : i32
    %dma_start3A_352 = arith.constant 0 : i32
    %dma_start3A_353 = arith.constant 0 : i32
    %dma_start3A_354 = arith.constant 0 : i32
    %dma_start3A_355 = arith.constant 0 : i32
    %dma_start3A_356 = tpu.memref_slice %arg4[%dma_start3A_351, %add3A, %dma_start3A_352, %dma_start3A_353, %dma_start3A_354, %dma_start3A_355] : memref<8x32x4x4x8x128xf32, #tpu.memory_space<hbm>> -> memref<1x1x4x4x8x128xf32, #tpu.memory_space<hbm>>
    %dma_start3A_357 = tpu.memref_squeeze %dma_start3A_356 : memref<1x1x4x4x8x128xf32, #tpu.memory_space<hbm>> -> memref<4x4x8x128xf32, #tpu.memory_space<hbm>>
    %dma_start3A_358 = arith.constant 0 : i32
    %dma_start3A_359 = arith.constant 0 : i32
    %dma_start3A_360 = arith.constant 0 : i32
    %dma_start3A_361 = arith.constant 0 : i32
    %dma_start3A_362 = tpu.memref_slice %arg4[%dma_start3A_351, %add3A, %dma_start3A_358, %dma_start3A_359, %dma_start3A_360, %dma_start3A_361] : memref<8x32x4x4x8x128xf32, #tpu.memory_space<hbm>> -> memref<1x1x4x4x8x128xf32, #tpu.memory_space<hbm>>
    %dma_start3A_363 = tpu.memref_squeeze %dma_start3A_362 : memref<1x1x4x4x8x128xf32, #tpu.memory_space<hbm>> -> memref<4x4x8x128xf32, #tpu.memory_space<hbm>>
    tpu.enqueue_dma source(%arg5 : memref<4x4x8x128xf32, #tpu.memory_space<vmem>>) target(%dma_start3A_363 : memref<4x4x8x128xf32, #tpu.memory_space<hbm>>) target_semaphore(%arg7 : memref<!tpu.dma_semaphore, #tpu.memory_space<semaphore_mem>>)
    %dma_wait3A_364 = arith.constant 0 : i32
    %dma_wait3A_365 = arith.constant 0 : i32
    %dma_wait3A_366 = arith.constant 0 : i32
    %dma_wait3A_367 = arith.constant 0 : i32
    %dma_wait3A_368 = arith.constant 0 : i32
    %dma_wait3A_369 = tpu.memref_slice %arg4[%dma_wait3A_364, %add3A, %dma_wait3A_365, %dma_wait3A_366, %dma_wait3A_367, %dma_wait3A_368] : memref<8x32x4x4x8x128xf32, #tpu.memory_space<hbm>> -> memref<1x1x4x4x8x128xf32, #tpu.memory_space<hbm>>
    %dma_wait3A_370 = tpu.memref_squeeze %dma_wait3A_369 : memref<1x1x4x4x8x128xf32, #tpu.memory_space<hbm>> -> memref<4x4x8x128xf32, #tpu.memory_space<hbm>>
    %dma_wait3A_371 = arith.constant 0 : i32
    %dma_wait3A_372 = arith.constant 0 : i32
    %dma_wait3A_373 = arith.constant 0 : i32
    %dma_wait3A_374 = arith.constant 0 : i32
    %dma_wait3A_375 = tpu.memref_slice %arg4[%dma_wait3A_364, %add3A, %dma_wait3A_371, %dma_wait3A_372, %dma_wait3A_373, %dma_wait3A_374] : memref<8x32x4x4x8x128xf32, #tpu.memory_space<hbm>> -> memref<1x1x4x4x8x128xf32, #tpu.memory_space<hbm>>
    %dma_wait3A_376 = tpu.memref_squeeze %dma_wait3A_375 : memref<1x1x4x4x8x128xf32, #tpu.memory_space<hbm>> -> memref<4x4x8x128xf32, #tpu.memory_space<hbm>>
    tpu.wait_dma2 semaphore(%arg7 : memref<!tpu.dma_semaphore, #tpu.memory_space<semaphore_mem>>) src(%arg5 : memref<4x4x8x128xf32, #tpu.memory_space<vmem>>) dst(%dma_wait3A_376 : memref<4x4x8x128xf32, #tpu.memory_space<hbm>>)
    %dma_wait3A_377 = arith.constant 1 : i32
    %dma_wait3A_378 = arith.constant 0 : i32
    %dma_wait3A_379 = arith.constant 0 : i32
    %dma_wait3A_380 = arith.constant 0 : i32
    %dma_wait3A_381 = arith.constant 0 : i32
    %dma_wait3A_382 = tpu.memref_slice %arg4[%dma_wait3A_377, %add3A, %dma_wait3A_378, %dma_wait3A_379, %dma_wait3A_380, %dma_wait3A_381] : memref<8x32x4x4x8x128xf32, #tpu.memory_space<hbm>> -> memref<1x1x4x4x8x128xf32, #tpu.memory_space<hbm>>
    %dma_wait3A_383 = tpu.memref_squeeze %dma_wait3A_382 : memref<1x1x4x4x8x128xf32, #tpu.memory_space<hbm>> -> memref<4x4x8x128xf32, #tpu.memory_space<hbm>>
    %dma_wait3A_384 = arith.constant 0 : i32
    %dma_wait3A_385 = arith.constant 0 : i32
    %dma_wait3A_386 = arith.constant 0 : i32
    %dma_wait3A_387 = arith.constant 0 : i32
    %dma_wait3A_388 = tpu.memref_slice %arg4[%dma_wait3A_377, %add3A, %dma_wait3A_384, %dma_wait3A_385, %dma_wait3A_386, %dma_wait3A_387] : memref<8x32x4x4x8x128xf32, #tpu.memory_space<hbm>> -> memref<1x1x4x4x8x128xf32, #tpu.memory_space<hbm>>
    %dma_wait3A_389 = tpu.memref_squeeze %dma_wait3A_388 : memref<1x1x4x4x8x128xf32, #tpu.memory_space<hbm>> -> memref<4x4x8x128xf32, #tpu.memory_space<hbm>>
    tpu.wait_dma2 semaphore(%arg7 : memref<!tpu.dma_semaphore, #tpu.memory_space<semaphore_mem>>) src(%arg5 : memref<4x4x8x128xf32, #tpu.memory_space<vmem>>) dst(%dma_wait3A_389 : memref<4x4x8x128xf32, #tpu.memory_space<hbm>>)
    %dma_wait3A_390 = arith.constant 2 : i32
    %dma_wait3A_391 = arith.constant 0 : i32
    %dma_wait3A_392 = arith.constant 0 : i32
    %dma_wait3A_393 = arith.constant 0 : i32
    %dma_wait3A_394 = arith.constant 0 : i32
    %dma_wait3A_395 = tpu.memref_slice %arg4[%dma_wait3A_390, %add3A, %dma_wait3A_391, %dma_wait3A_392, %dma_wait3A_393, %dma_wait3A_394] : memref<8x32x4x4x8x128xf32, #tpu.memory_space<hbm>> -> memref<1x1x4x4x8x128xf32, #tpu.memory_space<hbm>>
    %dma_wait3A_396 = tpu.memref_squeeze %dma_wait3A_395 : memref<1x1x4x4x8x128xf32, #tpu.memory_space<hbm>> -> memref<4x4x8x128xf32, #tpu.memory_space<hbm>>
    %dma_wait3A_397 = arith.constant 0 : i32
    %dma_wait3A_398 = arith.constant 0 : i32
    %dma_wait3A_399 = arith.constant 0 : i32
    %dma_wait3A_400 = arith.constant 0 : i32
    %dma_wait3A_401 = tpu.memref_slice %arg4[%dma_wait3A_390, %add3A, %dma_wait3A_397, %dma_wait3A_398, %dma_wait3A_399, %dma_wait3A_400] : memref<8x32x4x4x8x128xf32, #tpu.memory_space<hbm>> -> memref<1x1x4x4x8x128xf32, #tpu.memory_space<hbm>>
    %dma_wait3A_402 = tpu.memref_squeeze %dma_wait3A_401 : memref<1x1x4x4x8x128xf32, #tpu.memory_space<hbm>> -> memref<4x4x8x128xf32, #tpu.memory_space<hbm>>
    tpu.wait_dma2 semaphore(%arg7 : memref<!tpu.dma_semaphore, #tpu.memory_space<semaphore_mem>>) src(%arg5 : memref<4x4x8x128xf32, #tpu.memory_space<vmem>>) dst(%dma_wait3A_402 : memref<4x4x8x128xf32, #tpu.memory_space<hbm>>)
    %dma_wait3A_403 = arith.constant 3 : i32
    %dma_wait3A_404 = arith.constant 0 : i32
    %dma_wait3A_405 = arith.constant 0 : i32
    %dma_wait3A_406 = arith.constant 0 : i32
    %dma_wait3A_407 = arith.constant 0 : i32
    %dma_wait3A_408 = tpu.memref_slice %arg4[%dma_wait3A_403, %add3A, %dma_wait3A_404, %dma_wait3A_405, %dma_wait3A_406, %dma_wait3A_407] : memref<8x32x4x4x8x128xf32, #tpu.memory_space<hbm>> -> memref<1x1x4x4x8x128xf32, #tpu.memory_space<hbm>>
    %dma_wait3A_409 = tpu.memref_squeeze %dma_wait3A_408 : memref<1x1x4x4x8x128xf32, #tpu.memory_space<hbm>> -> memref<4x4x8x128xf32, #tpu.memory_space<hbm>>
    %dma_wait3A_410 = arith.constant 0 : i32
    %dma_wait3A_411 = arith.constant 0 : i32
    %dma_wait3A_412 = arith.constant 0 : i32
    %dma_wait3A_413 = arith.constant 0 : i32
    %dma_wait3A_414 = tpu.memref_slice %arg4[%dma_wait3A_403, %add3A, %dma_wait3A_410, %dma_wait3A_411, %dma_wait3A_412, %dma_wait3A_413] : memref<8x32x4x4x8x128xf32, #tpu.memory_space<hbm>> -> memref<1x1x4x4x8x128xf32, #tpu.memory_space<hbm>>
    %dma_wait3A_415 = tpu.memref_squeeze %dma_wait3A_414 : memref<1x1x4x4x8x128xf32, #tpu.memory_space<hbm>> -> memref<4x4x8x128xf32, #tpu.memory_space<hbm>>
    tpu.wait_dma2 semaphore(%arg7 : memref<!tpu.dma_semaphore, #tpu.memory_space<semaphore_mem>>) src(%arg5 : memref<4x4x8x128xf32, #tpu.memory_space<vmem>>) dst(%dma_wait3A_415 : memref<4x4x8x128xf32, #tpu.memory_space<hbm>>)
    %dma_wait3A_416 = arith.constant 4 : i32
    %dma_wait3A_417 = arith.constant 0 : i32
    %dma_wait3A_418 = arith.constant 0 : i32
    %dma_wait3A_419 = arith.constant 0 : i32
    %dma_wait3A_420 = arith.constant 0 : i32
    %dma_wait3A_421 = tpu.memref_slice %arg4[%dma_wait3A_416, %add3A, %dma_wait3A_417, %dma_wait3A_418, %dma_wait3A_419, %dma_wait3A_420] : memref<8x32x4x4x8x128xf32, #tpu.memory_space<hbm>> -> memref<1x1x4x4x8x128xf32, #tpu.memory_space<hbm>>
    %dma_wait3A_422 = tpu.memref_squeeze %dma_wait3A_421 : memref<1x1x4x4x8x128xf32, #tpu.memory_space<hbm>> -> memref<4x4x8x128xf32, #tpu.memory_space<hbm>>
    %dma_wait3A_423 = arith.constant 0 : i32
    %dma_wait3A_424 = arith.constant 0 : i32
    %dma_wait3A_425 = arith.constant 0 : i32
    %dma_wait3A_426 = arith.constant 0 : i32
    %dma_wait3A_427 = tpu.memref_slice %arg4[%dma_wait3A_416, %add3A, %dma_wait3A_423, %dma_wait3A_424, %dma_wait3A_425, %dma_wait3A_426] : memref<8x32x4x4x8x128xf32, #tpu.memory_space<hbm>> -> memref<1x1x4x4x8x128xf32, #tpu.memory_space<hbm>>
    %dma_wait3A_428 = tpu.memref_squeeze %dma_wait3A_427 : memref<1x1x4x4x8x128xf32, #tpu.memory_space<hbm>> -> memref<4x4x8x128xf32, #tpu.memory_space<hbm>>
    tpu.wait_dma2 semaphore(%arg7 : memref<!tpu.dma_semaphore, #tpu.memory_space<semaphore_mem>>) src(%arg5 : memref<4x4x8x128xf32, #tpu.memory_space<vmem>>) dst(%dma_wait3A_428 : memref<4x4x8x128xf32, #tpu.memory_space<hbm>>)
    %dma_wait3A_429 = arith.constant 5 : i32
    %dma_wait3A_430 = arith.constant 0 : i32
    %dma_wait3A_431 = arith.constant 0 : i32
    %dma_wait3A_432 = arith.constant 0 : i32
    %dma_wait3A_433 = arith.constant 0 : i32
    %dma_wait3A_434 = tpu.memref_slice %arg4[%dma_wait3A_429, %add3A, %dma_wait3A_430, %dma_wait3A_431, %dma_wait3A_432, %dma_wait3A_433] : memref<8x32x4x4x8x128xf32, #tpu.memory_space<hbm>> -> memref<1x1x4x4x8x128xf32, #tpu.memory_space<hbm>>
    %dma_wait3A_435 = tpu.memref_squeeze %dma_wait3A_434 : memref<1x1x4x4x8x128xf32, #tpu.memory_space<hbm>> -> memref<4x4x8x128xf32, #tpu.memory_space<hbm>>
    %dma_wait3A_436 = arith.constant 0 : i32
    %dma_wait3A_437 = arith.constant 0 : i32
    %dma_wait3A_438 = arith.constant 0 : i32
    %dma_wait3A_439 = arith.constant 0 : i32
    %dma_wait3A_440 = tpu.memref_slice %arg4[%dma_wait3A_429, %add3A, %dma_wait3A_436, %dma_wait3A_437, %dma_wait3A_438, %dma_wait3A_439] : memref<8x32x4x4x8x128xf32, #tpu.memory_space<hbm>> -> memref<1x1x4x4x8x128xf32, #tpu.memory_space<hbm>>
    %dma_wait3A_441 = tpu.memref_squeeze %dma_wait3A_440 : memref<1x1x4x4x8x128xf32, #tpu.memory_space<hbm>> -> memref<4x4x8x128xf32, #tpu.memory_space<hbm>>
    tpu.wait_dma2 semaphore(%arg7 : memref<!tpu.dma_semaphore, #tpu.memory_space<semaphore_mem>>) src(%arg5 : memref<4x4x8x128xf32, #tpu.memory_space<vmem>>) dst(%dma_wait3A_441 : memref<4x4x8x128xf32, #tpu.memory_space<hbm>>)
    %dma_wait3A_442 = arith.constant 6 : i32
    %dma_wait3A_443 = arith.constant 0 : i32
    %dma_wait3A_444 = arith.constant 0 : i32
    %dma_wait3A_445 = arith.constant 0 : i32
    %dma_wait3A_446 = arith.constant 0 : i32
    %dma_wait3A_447 = tpu.memref_slice %arg4[%dma_wait3A_442, %add3A, %dma_wait3A_443, %dma_wait3A_444, %dma_wait3A_445, %dma_wait3A_446] : memref<8x32x4x4x8x128xf32, #tpu.memory_space<hbm>> -> memref<1x1x4x4x8x128xf32, #tpu.memory_space<hbm>>
    %dma_wait3A_448 = tpu.memref_squeeze %dma_wait3A_447 : memref<1x1x4x4x8x128xf32, #tpu.memory_space<hbm>> -> memref<4x4x8x128xf32, #tpu.memory_space<hbm>>
    %dma_wait3A_449 = arith.constant 0 : i32
    %dma_wait3A_450 = arith.constant 0 : i32
    %dma_wait3A_451 = arith.constant 0 : i32
    %dma_wait3A_452 = arith.constant 0 : i32
    %dma_wait3A_453 = tpu.memref_slice %arg4[%dma_wait3A_442, %add3A, %dma_wait3A_449, %dma_wait3A_450, %dma_wait3A_451, %dma_wait3A_452] : memref<8x32x4x4x8x128xf32, #tpu.memory_space<hbm>> -> memref<1x1x4x4x8x128xf32, #tpu.memory_space<hbm>>
    %dma_wait3A_454 = tpu.memref_squeeze %dma_wait3A_453 : memref<1x1x4x4x8x128xf32, #tpu.memory_space<hbm>> -> memref<4x4x8x128xf32, #tpu.memory_space<hbm>>
    tpu.wait_dma2 semaphore(%arg7 : memref<!tpu.dma_semaphore, #tpu.memory_space<semaphore_mem>>) src(%arg5 : memref<4x4x8x128xf32, #tpu.memory_space<vmem>>) dst(%dma_wait3A_454 : memref<4x4x8x128xf32, #tpu.memory_space<hbm>>)
    %dma_wait3A_455 = arith.constant 7 : i32
    %dma_wait3A_456 = arith.constant 0 : i32
    %dma_wait3A_457 = arith.constant 0 : i32
    %dma_wait3A_458 = arith.constant 0 : i32
    %dma_wait3A_459 = arith.constant 0 : i32
    %dma_wait3A_460 = tpu.memref_slice %arg4[%dma_wait3A_455, %add3A, %dma_wait3A_456, %dma_wait3A_457, %dma_wait3A_458, %dma_wait3A_459] : memref<8x32x4x4x8x128xf32, #tpu.memory_space<hbm>> -> memref<1x1x4x4x8x128xf32, #tpu.memory_space<hbm>>
    %dma_wait3A_461 = tpu.memref_squeeze %dma_wait3A_460 : memref<1x1x4x4x8x128xf32, #tpu.memory_space<hbm>> -> memref<4x4x8x128xf32, #tpu.memory_space<hbm>>
    %dma_wait3A_462 = arith.constant 0 : i32
    %dma_wait3A_463 = arith.constant 0 : i32
    %dma_wait3A_464 = arith.constant 0 : i32
    %dma_wait3A_465 = arith.constant 0 : i32
    %dma_wait3A_466 = tpu.memref_slice %arg4[%dma_wait3A_455, %add3A, %dma_wait3A_462, %dma_wait3A_463, %dma_wait3A_464, %dma_wait3A_465] : memref<8x32x4x4x8x128xf32, #tpu.memory_space<hbm>> -> memref<1x1x4x4x8x128xf32, #tpu.memory_space<hbm>>
    %dma_wait3A_467 = tpu.memref_squeeze %dma_wait3A_466 : memref<1x1x4x4x8x128xf32, #tpu.memory_space<hbm>> -> memref<4x4x8x128xf32, #tpu.memory_space<hbm>>
    tpu.wait_dma2 semaphore(%arg7 : memref<!tpu.dma_semaphore, #tpu.memory_space<semaphore_mem>>) src(%arg5 : memref<4x4x8x128xf32, #tpu.memory_space<vmem>>) dst(%dma_wait3A_467 : memref<4x4x8x128xf32, #tpu.memory_space<hbm>>)
    return
  }
}

</mosaic_0001>

<sc_bundles>
// kernel: kernel.3.cloned.1.call-start
scs
__scs_entry_jumppad:
0x0: {  	(pc) =	sbr.rel $0x88, $3  }
0x1: {  	(tag) =	ssettag $0x0;
	lr =	simm.s32 $0x1  }
0x2: {  	[smem:$0x3F9F] =	sst lr;
	_ =	strace $0xD0000000  }
0x3: {  	_ = 	snop  }
0x4: {  	_ = 	snop  }
0x5: {  	_ = 	snop  }
0x6: {  	_ = 	snop  }
0x7: {  	_ = 	snop  }
__scs_overlays_trampoline_lowered:
0x8: {  	[smem:$0x3FAE] =	sst s0  }
0x9: {  	[smem:$0x3FAF] =	sst s1  }
0xa: {  	[smem:$0x3FB0] =	sst s2  }
0xb: {  	[smem:$0x3FB1] =	sst s3  }
0xc: {  	[smem:$0x3FB2] =	sst s4  }
0xd: {  	[smem:$0x3FB3] =	sst s5  }
0xe: {  	[smem:$0x3FB4] =	sst s6  }
0xf: {  	[smem:$0x3FB5] =	sst s7  }
0x10: {  	[smem:$0x3FB6] =	sst s8  }
0x11: {  	[smem:$0x3FB7] =	sst s9;
	s0 =	simm.s32 @!p0 $0x0  }
0x12: {  	s1 =	sld [smem:$0x3F9D];
	s0 =	simm.s32 @p0 $0x1  }
0x13: {  	[smem:$0x3FB8] =	sst s0;
	s0 =	simm.s32 @!p1 $0x0  }
0x14: {  	s2 =	sld [smem:$0x3F9C];
	s0 =	simm.s32 @p1 $0x1  }
0x15: {  	[smem:$0x3FB9] =	sst s0;
	s0 =	simm.s32 @!p2 $0x0  }
0x16: {  	s3 =	sld [smem:$0x3FDB];
	s0 =	simm.s32 @p2 $0x1  }
0x17: {  	s4 =	simm.s32 $0x1BF5;
	[smem:$0x3FBB] =	sst s0  }
0x18: {  	s0 =	sld [smem:$0x3F9E];
	_ =	swait.ge [sflag:s4], $0x0  }
0x19: {  	s7 =	sld [smem:$0x3F9F]  }
0x1a: {  	s8 =	sadd.s32 $0xFFFFE003, lr  }
0x1b: {  	s9 =	sadd.s32 $0xFFFFFEF7, lr;
	s5 =	simm.s32 $0xFFFFFFFF;
	p2 =	slt.u32 s8, $0xFFFFF086  }
0x1c: {  	p1 =	slt.u32 s9, $0xF7A;
	s5 =	simm.s32 @!p2 $0x0  }
0x1d: {  	s5 =	simm.s32 @p1 $0x1;
	p0 =	seq.s32 s7, s2  }
0x1e: {  	s7 =	smul.u32 @!p0 $0xF7A, s2;
	p2 =	seq.s32 @!p0 s5, $0x0  }
0x1f: {  	s9 =	smul.u32 $0xF7A, s1;
	s8 =	simm.s32 @!p0 $0x1BF5;
	p2 =	por !p2, p0  }
0x20: {  	[sflag:s8] =	ssyncset.s32 @!p0 $0xFFFFF086;
	s6 =	sadd.s32 @!p0 s3, s7;
	s7 =	simm.s32 @!p0 $0x108  }
0x21: {  	s3 =	sadd.s32 s3, s9;
	s6 =	sadd.s32 @!p0 $0x88, s6;
	s7 =	simm.s32 @p2 $0x1082  }
0x22: {  	[simem:s7], [sflag:s8] =	dma.local @!p0 [hbm:s6], $0xF7A  }
0x23: {  	s9 =	sor.u32 $0xD0000000, s2;
	s6 =	simm.s32 $0x108;
	_ =	swait.ge @!p0 [sflag:s8], $0x0  }
0x24: {  	s3 =	sadd.s32 $0x88, s3;
	s6 =	simm.s32 @!p1 $0x1082;
	[sflag:s4] =	ssyncset.s32 $0xFFFFF086  }
0x25: {  	[simem:s6], [sflag:s4] =	dma.local [hbm:s3], $0xF7A  }
0x26: {  	[smem:$0x3F9F] =	sst s1;
	(tag) =	ssettag s2;
	_ =	strace s9  }
0x27: {  	s1 =	sld [smem:$0x3FAF]  }
0x28: {  	s2 =	sld [smem:$0x3FB0]  }
0x29: {  	s4 =	sld [smem:$0x3FB2]  }
0x2a: {  	p0 =	seq.s32 s5, $0x0;
	s5 =	sld [smem:$0x3FB3]  }
0x2b: {  	s6 =	sld [smem:$0x3FB4]  }
0x2c: {  	s7 =	sld [smem:$0x3FB5]  }
0x2d: {  	s3 =	simm.s32 $0x108;
	s8 =	sld [smem:$0x3FB6]  }
0x2e: {  	s3 =	simm.s32 @!p0 $0x1082;
	s9 =	sld [smem:$0x3FB7]  }
0x2f: {  	lr =	sadd.s32 s0, s3;
	s0 =	sld [smem:$0x3FAE]  }
0x30: {  	s3 =	sld [smem:$0x3FB1]  }
0x31: {  	[smem:$0x3FBA] =	sst s10  }
0x32: {  	s10 =	sld [smem:$0x3FB8];
	_ =	sdelay $0x3  }
0x33: {  	p0 =	seq.s32 s10, $0x1;
	s10 =	sld [smem:$0x3FBA];
	_ =	sdelay $0x3  }
0x34: {  	[smem:$0x3FBA] =	sst s10  }
0x35: {  	s10 =	sld [smem:$0x3FB9];
	_ =	sdelay $0x3  }
0x36: {  	p1 =	seq.s32 s10, $0x1;
	s10 =	sld [smem:$0x3FBA];
	_ =	sdelay $0x3  }
0x37: {  	[smem:$0x3FBA] =	sst s10  }
0x38: {  	s10 =	sld [smem:$0x3FBB]  }
0x39: {  	_ = 	snop;
	(pc) =	sbr.ind lr, $3  }
0x3a: {  	_ = 	snop  }
0x3b: {  	_ = 	snop  }
0x3c: {  	p2 =	seq.s32 s10, $0x1;
	s10 =	sld [smem:$0x3FBA]  }
0x3d: {  	_ =	shalt  }
0x3e: {  	_ =	shalt  }
0x3f: {  	_ =	shalt  }
0x40: {  	_ =	shalt  }
0x41: {  	_ =	shalt  }
0x42: {  	_ =	shalt  }
0x43: {  	_ =	shalt  }
0x44: {  	_ =	shalt  }
0x45: {  	_ =	shalt  }
0x46: {  	_ =	shalt  }
0x47: {  	_ =	shalt  }
0x48: {  	_ =	shalt  }
0x49: {  	_ =	shalt  }
0x4a: {  	_ =	shalt  }
0x4b: {  	_ =	shalt  }
0x4c: {  	_ =	shalt  }
0x4d: {  	_ =	shalt  }
0x4e: {  	_ =	shalt  }
0x4f: {  	_ =	shalt  }
0x50: {  	_ =	shalt  }
0x51: {  	_ =	shalt  }
0x52: {  	_ =	shalt  }
0x53: {  	_ =	shalt  }
0x54: {  	_ =	shalt  }
0x55: {  	_ =	shalt  }
0x56: {  	_ =	shalt  }
0x57: {  	_ =	shalt  }
0x58: {  	_ =	shalt  }
0x59: {  	_ =	shalt  }
0x5a: {  	_ =	shalt  }
0x5b: {  	_ =	shalt  }
0x5c: {  	_ =	shalt  }
0x5d: {  	_ =	shalt  }
0x5e: {  	_ =	shalt  }
0x5f: {  	_ =	shalt  }
0x60: {  	_ =	shalt  }
0x61: {  	_ =	shalt  }
0x62: {  	_ =	shalt  }
0x63: {  	_ =	shalt  }
0x64: {  	_ =	shalt  }
0x65: {  	_ =	shalt  }
0x66: {  	_ =	shalt  }
0x67: {  	_ =	shalt  }
0x68: {  	_ =	shalt  }
0x69: {  	_ =	shalt  }
0x6a: {  	_ =	shalt  }
0x6b: {  	_ =	shalt  }
0x6c: {  	_ =	shalt  }
0x6d: {  	_ =	shalt  }
0x6e: {  	_ =	shalt  }
0x6f: {  	_ =	shalt  }
0x70: {  	_ =	shalt  }
0x71: {  	_ =	shalt  }
0x72: {  	_ =	shalt  }
0x73: {  	_ =	shalt  }
0x74: {  	_ =	shalt  }
0x75: {  	_ =	shalt  }
0x76: {  	_ =	shalt  }
0x77: {  	_ =	shalt  }
0x78: {  	_ =	shalt  }
0x79: {  	_ =	shalt  }
0x7a: {  	_ =	shalt  }
0x7b: {  	_ =	shalt  }
0x7c: {  	_ =	shalt  }
0x7d: {  	_ =	shalt  }
0x7e: {  	_ =	shalt  }
0x7f: {  	_ =	shalt  }
0x80: {  	_ =	shalt  }
0x81: {  	_ =	shalt  }
0x82: {  	_ =	shalt  }
0x83: {  	_ =	shalt  }
0x84: {  	_ =	shalt  }
0x85: {  	_ =	shalt  }
0x86: {  	_ =	shalt  }
0x87: {  	_ =	shalt  }
.Lfunc_end0:
.L_simem_size_0:
called_computation_lowered:
.L_overlay_start_0:
0x88: {  	s2 =	sld [smem:$0x3FD9]  }
0x89: {  	s3 =	sld [smem:$0x3FFE];
	_ =	sdelay $0x1  }
0x8a: {  	s1 =	srdreg.scid  }
0x8b: {  	s0 =	sand.u32 $0x1, s1  }
0x8c: {  	s17 =	sshll.u32 s0, $0xA;
	s2 =	sadd.s32 s3, s2  }
0x8d: {  	s2 =	sadd.s32 s2, s17  }
0x8e: {  	[smem:$0x3FC6] =	sst s2  }
0x8f: {  	_ = 	snop  }
0x90: {  	s2 =	sld [smem:$0x3FD0];
	(tm) =	ssettm $0x1  }
0x91: {  	s18 =	sld [smem:$0x3FFB];
	_ =	sdelay $0x3  }
0x92: {  	_ =	strace s18  }
0x93: {  	s3 =	sld [smem:$0x3FFC];
	_ =	sdelay $0x3  }
0x94: {  	_ =	strace s3  }
0x95: {  	s3 =	sld [smem:$0x3FFD];
	_ =	sdelay $0x3  }
0x96: {  	_ =	strace s3  }
0x97: {  	_ =	strace $0x8FFFFFFF  }
0x98: {  	s19 =	sld [smem:$0x3FDB];
	_ =	sdelay $0x1  }
0x99: {  	s4 =	simm.s32 $_scs_section_size  }
0x9a: {  	s5 =	simm.s32 $_size__tile_overlayer_lowered;
	s6 =	simm.s32 $_tile_overlayer_lowered  }
0x9b: {  	s22 =	simm.s32 $0x1BFF;
	s21 =	sshll.u32 s6, $0x1;
	s3 =	sadd.s32 s4, s19  }
0x9c: {  	s7 =	simm.s32 $0x0;
	s20 =	sshll.u32 s5, $0x1;
	s5 =	sadd.s32 s21, s3  }
0x9d: {  	[timem:s7], [sflag:s22] =	dma.local [hbm:s5], s20  }
0x9e: {  	_ =	swait.ge [sflag:s22], s20  }
0x9f: {  	s4 =	ssub.s32 $0x0, s20;
	[sflag:s22] =	ssyncset.done $0x0  }
0xa0: {  	[sflag:s22] =	ssyncadd.s32 s4;
	_ =	sdelay $0x1  }
0xa1: {  	s23 =	simm.s32 $0x1B8B  }
0xa2: {  	_ =	swait.ge [sflag:s23], $0x1  }
0xa3: {  	[sflag:s23] =	ssyncset.done $0x0  }
0xa4: {  	s25 =	simm.s32 $0x1B8E;
	s24 =	sld [smem:$0x3FFE];
	[sflag:s23] =	ssyncadd.s32 $0xFFFFFFFF  }
0xa5: {  	s26 =	simm.s32 $execute0_lowered;
	[smem:$0x3FD2] =	sst s25  }
0xa6: {  	s5 =	sshll.u32 s26, $0x1;
	_ =	strace $0x80000046;
	[dreg:$0x1] =	wrdreg $0xFFFFFFFF  }
0xa7: {  	s28 =	simm.s32 $_size_execute0_lowered;
	s3 =	sadd.s32 s3, s5;
	[dreg:$0x0] =	wrdreg $0x0  }
0xa8: {  	s5 =	sshll.u32 s28, $0x1;
	[dreg:$0x2] =	wrdreg s3  }
0xa9: {  	[dreg:$0x3] =	wrdreg s5  }
0xaa: {  	[dreg:$0x4] =	wrdreg $0xC0  }
0xab: {  	_ =	task [dreg:s7], $0x5FFFF  }
0xac: {  	[dreg:$0x1] =	wrdreg $0xFFFFFFFF  }
0xad: {  	[dreg:$0x0] =	wrdreg $0x60  }
0xae: {  	[dreg:$0x2] =	wrdreg s24  }
0xaf: {  	[dreg:$0x3] =	wrdreg s2  }
0xb0: {  	[dreg:$0x4] =	wrdreg $0x9  }
0xb1: {  	_ =	task.clear_ibuf [dreg:s7], $0x5FFFF;
	_ =	strace $0x90000046  }
0xb2: {  	s29 =	simm.s32 $0x9;
	_ =	strace $0x80000048  }
0xb3: {  	_ =	swait.ge [sflag:s29], $0x1  }
0xb4: {  	[sflag:s29] =	ssyncadd.s32 $0xFFFFFFFF  }
0xb5: {  	_ =	strace $0x90000048  }
0xb6: {  	_ =	sfence  }
0xb7: {  	s30 =	sld [smem:$0x0];
	_ =	sdelay $0x2  }
0xb8: {  	s31 =	sshll.u32 s1, $0xD;
	s1 =	sshrl.u32 s1, $0x2  }
0xb9: {  	s3 =	sand.u32 $0x4000, s31;
	s1 =	sadd.s32 s1, s30  }
0xba: {  	s0 =	sor.u32 s3, s0;
	s1 =	sshll.u32 s1, $0x11  }
0xbb: {  	s0 =	sor.u32 s1, s0  }
0xbc: {  	s0 =	sadd.s32 $0x8F2B, s0  }
0xbd: {  	[sflag:s0] =	ssyncadd.remote.s32 $0x1  }
0xbe: {  	_ =	sfence.sel $0xFFFF  }
0xbf: {  	[dreg:$0x0] =	wrdreg $0xFFFFFFFF;
	(pc) =	sbr.abs _section_cstart, $3  }
0xc0: {  	[dreg:$0x1] =	wrdreg $0xFFFFFFFF  }
0xc1: {  	_ =	task.clear_ibuf [dreg:s7], $0x2FFFF;
	_ =	strace $0x9FFFFFFF  }
0xc2: {  	(tm) =	ssettm $0x7FFFFFFF  }
0xc3: {  	_ =	shalt  }
tec
execute0_lowered:
.L_overlay_start_1:
0x0: {  	(tag) =	ssettag $0x1  }
0x1: {  	s0 =	rddreg [dreg:$0x0]  }
0x2: {  	s2 =	rddreg [dreg:$0x1];
	s1 =	simm.s32 $0x0  }
0x3: {  	s3 =	srdreg.scid;
	s8 =	stileid.u32;
	s22 =	simm.s32 $0x80  }
0x4: {  	s23 =	simm.s32 $0x100;
	s30 =	simm.s32 $0x3000;
	s31 =	simm.s32 $0x3400  }
0x5: {  	s24 =	simm.s32 $0x2;
	s25 =	simm.s32 $0x1;
	s26 =	simm.s32 $0x0  }
0x6: {  	[smem:$0x7FF] =	sst s1;
	s5 =	sand.u32 $0x1, s3;
	s3 =	sadd.s32 $0xC00, s0  }
0x7: {  	s4 =	sadd.s32 $0x400, s0;
	s29 =	sshll.u32 s8, $0x1;
	s8 =	sadd.s32 $0xE00, s0  }
0x8: {  	s9 =	sadd.s32 $0xE10, s0;
	s10 =	sadd.s32 $0xF00, s0;
	s12 =	sadd.s32 $0xF10, s0  }
0x9: {  	_ =	strace $0x80000047;
	s6 =	ssub.s32 $0x2, s5;
	s13 =	sor.u32 s5, s29  }
0xa: {  	s5 =	sadd.s32 $0xC10, s0;
	s7 =	sshrl.u32 s6, $0x1;
	s11 =	sshll.u32 s13, $0xB  }
0xb: {  	s13 =	sshll.u32 s13, $0x8;
	s21 =	ssub.s32 s6, s7;
	s6 =	sadd.s32 $0xD00, s0  }
0xc: {  	s7 =	sadd.s32 $0xD10, s0;
	s11 =	sadd.s32 s2, s11;
	s0 =	simm.s32 $0x4000  }
0xd: {  	s2 =	simm.s32 $0x3;
	s14 =	sadd.s32 $0x10000, s11;
	s15 =	sadd.s32 $0x20000, s11  }
0xe: {  	s16 =	sadd.s32 $0x30000, s11;
	s17 =	sadd.s32 $0x40000, s11;
	s18 =	sadd.s32 $0x50000, s11  }
0xf: {  	s19 =	sadd.s32 $0x60000, s11;
	s20 =	sadd.s32 $0x70000, s11;
	s21 =	smax.u32 s21, $0x1  }
.LBB2_1:
0x10: {  	[tilespmem:s1], [sflag:$0x2] =	stream.strided.gather [hbm4b:s3+s22], $0x400, s23, s22, $0x38;
	[tilespmem:$0x6000] =	vst v63  }
0x11: {  	s28 =	simm.s32 $0x400  }
0x12: {  	[tilespmem:s28], [sflag:$0x2] =	stream.strided.gather [hbm4b:s5+s22], $0x400, s23, s22, $0x38;
	[tilespmem:$0x6000] =	vst v63  }
0x13: {  	s28 =	simm.s32 $0x1000  }
0x14: {  	[tilespmem:s28], [sflag:$0x2] =	stream.strided.gather [hbm4b:s6+s22], $0x400, s23, s22, $0x38;
	[tilespmem:$0x6000] =	vst v63  }
0x15: {  	s28 =	simm.s32 $0x1400  }
0x16: {  	[tilespmem:s28], [sflag:$0x2] =	stream.strided.gather [hbm4b:s7+s22], $0x400, s23, s22, $0x38;
	[tilespmem:$0x6000] =	vst v63  }
0x17: {  	s28 =	simm.s32 $0x2000  }
0x18: {  	[tilespmem:s28], [sflag:$0x2] =	stream.strided.gather [hbm4b:s8+s22], $0x400, s23, s22, $0x38;
	[tilespmem:$0x6000] =	vst v63  }
0x19: {  	s28 =	simm.s32 $0x2400  }
0x1a: {  	[tilespmem:s28], [sflag:$0x2] =	stream.strided.gather [hbm4b:s9+s22], $0x400, s23, s22, $0x38;
	[tilespmem:$0x6000] =	vst v63  }
0x1b: {  	_ = 	snop  }
0x1c: {  	[tilespmem:s30], [sflag:$0x2] =	stream.strided.gather [hbm4b:s10+s22], $0x400, s23, s22, $0x38;
	[tilespmem:$0x6000] =	vst v63  }
0x1d: {  	_ = 	snop  }
0x1e: {  	[tilespmem:s31], [sflag:$0x2] =	stream.strided.gather [hbm4b:s12+s22], $0x400, s23, s22, $0x38;
	[tilespmem:$0x6000] =	vst v63  }
0x1f: {  	_ = 	snop  }
0x20: {  	[tilespmem:s0], [sflag:$0x3] =	stream.linear.gather [hbm4b:s4+s1], $0x2000, $0x38;
	[tilespmem:$0x6000] =	vst v63  }
0x21: {  	_ =	swait.ge [sflag:s2], $0x2000  }
0x22: {  	[sflag:s2] =	ssyncset.done $0x0  }
0x23: {  	s28 =	simm.s32 $0x0;
	[sflag:s2] =	ssyncadd.s32 $0xFFFFE000  }
.LBB2_2:
0x24: {  	v0 =	vld [tilespmem:s13+$0x4000];
	_ =	sdelay $0x3  }
0x25: {  	s29 =	sshra.s32 s28, $0x2  }
0x26: {  	[tilespmem:s29+$0x800] =	vst v0  }
0x27: {  	[tilespmem:s29+$0x880] =	vst v0  }
0x28: {  	[tilespmem:s29+$0x900] =	vst v0  }
0x29: {  	[tilespmem:s29+$0x980] =	vst v0  }
0x2a: {  	[tilespmem:s29+$0xA00] =	vst v0  }
0x2b: {  	[tilespmem:s29+$0xA80] =	vst v0  }
0x2c: {  	[tilespmem:s29+$0xB00] =	vst v0  }
0x2d: {  	[tilespmem:s29+$0xB80] =	vst v0  }
0x2e: {  	v0 =	vld [tilespmem:s13+$0x4010];
	_ =	sdelay $0x4  }
0x2f: {  	[tilespmem:s29+$0x810] =	vst v0  }
0x30: {  	[tilespmem:s29+$0x890] =	vst v0  }
0x31: {  	[tilespmem:s29+$0x910] =	vst v0  }
0x32: {  	[tilespmem:s29+$0x990] =	vst v0  }
0x33: {  	[tilespmem:s29+$0xA10] =	vst v0  }
0x34: {  	[tilespmem:s29+$0xA90] =	vst v0  }
0x35: {  	[tilespmem:s29+$0xB10] =	vst v0  }
0x36: {  	[tilespmem:s29+$0xB90] =	vst v0  }
0x37: {  	v0 =	vld [tilespmem:s13+$0x4020];
	_ =	sdelay $0x4  }
0x38: {  	[tilespmem:s29+$0x820] =	vst v0  }
0x39: {  	[tilespmem:s29+$0x8A0] =	vst v0  }
0x3a: {  	[tilespmem:s29+$0x920] =	vst v0  }
0x3b: {  	[tilespmem:s29+$0x9A0] =	vst v0  }
0x3c: {  	[tilespmem:s29+$0xA20] =	vst v0  }
0x3d: {  	[tilespmem:s29+$0xAA0] =	vst v0  }
0x3e: {  	[tilespmem:s29+$0xB20] =	vst v0  }
0x3f: {  	[tilespmem:s29+$0xBA0] =	vst v0  }
0x40: {  	v0 =	vld [tilespmem:s13+$0x4030];
	_ =	sdelay $0x4  }
0x41: {  	[tilespmem:s29+$0x830] =	vst v0  }
0x42: {  	[tilespmem:s29+$0x8B0] =	vst v0  }
0x43: {  	[tilespmem:s29+$0x930] =	vst v0  }
0x44: {  	[tilespmem:s29+$0x9B0] =	vst v0  }
0x45: {  	[tilespmem:s29+$0xA30] =	vst v0  }
0x46: {  	[tilespmem:s29+$0xAB0] =	vst v0  }
0x47: {  	[tilespmem:s29+$0xB30] =	vst v0  }
0x48: {  	[tilespmem:s29+$0xBB0] =	vst v0  }
0x49: {  	v0 =	vld [tilespmem:s13+$0x4040];
	_ =	sdelay $0x4  }
0x4a: {  	[tilespmem:s29+$0x840] =	vst v0  }
0x4b: {  	[tilespmem:s29+$0x8C0] =	vst v0  }
0x4c: {  	[tilespmem:s29+$0x940] =	vst v0  }
0x4d: {  	[tilespmem:s29+$0x9C0] =	vst v0  }
0x4e: {  	[tilespmem:s29+$0xA40] =	vst v0  }
0x4f: {  	[tilespmem:s29+$0xAC0] =	vst v0  }
0x50: {  	[tilespmem:s29+$0xB40] =	vst v0  }
0x51: {  	[tilespmem:s29+$0xBC0] =	vst v0  }
0x52: {  	v0 =	vld [tilespmem:s13+$0x4050];
	_ =	sdelay $0x4  }
0x53: {  	[tilespmem:s29+$0x850] =	vst v0  }
0x54: {  	[tilespmem:s29+$0x8D0] =	vst v0  }
0x55: {  	[tilespmem:s29+$0x950] =	vst v0  }
0x56: {  	[tilespmem:s29+$0x9D0] =	vst v0  }
0x57: {  	[tilespmem:s29+$0xA50] =	vst v0  }
0x58: {  	[tilespmem:s29+$0xAD0] =	vst v0  }
0x59: {  	[tilespmem:s29+$0xB50] =	vst v0  }
0x5a: {  	[tilespmem:s29+$0xBD0] =	vst v0  }
0x5b: {  	v0 =	vld [tilespmem:s13+$0x4060];
	_ =	sdelay $0x4  }
0x5c: {  	[tilespmem:s29+$0x860] =	vst v0  }
0x5d: {  	[tilespmem:s29+$0x8E0] =	vst v0  }
0x5e: {  	[tilespmem:s29+$0x960] =	vst v0  }
0x5f: {  	[tilespmem:s29+$0x9E0] =	vst v0  }
0x60: {  	[tilespmem:s29+$0xA60] =	vst v0  }
0x61: {  	[tilespmem:s29+$0xAE0] =	vst v0  }
0x62: {  	[tilespmem:s29+$0xB60] =	vst v0  }
0x63: {  	[tilespmem:s29+$0xBE0] =	vst v0  }
0x64: {  	v0 =	vld [tilespmem:s13+$0x4070];
	_ =	sdelay $0x4  }
0x65: {  	[tilespmem:s29+$0x870] =	vst v0  }
0x66: {  	[tilespmem:s29+$0x8F0] =	vst v0  }
0x67: {  	[tilespmem:s29+$0x970] =	vst v0  }
0x68: {  	[tilespmem:s29+$0x9F0] =	vst v0  }
0x69: {  	[tilespmem:s29+$0xA70] =	vst v0  }
0x6a: {  	[tilespmem:s29+$0xAF0] =	vst v0  }
0x6b: {  	[tilespmem:s29+$0xB70] =	vst v0  }
0x6c: {  	[tilespmem:s29+$0xBF0] =	vst v0  }
0x6d: {  	v0 =	vld [tilespmem:s13+$0x4080];
	_ =	sdelay $0x4  }
0x6e: {  	[tilespmem:s29+$0xC00] =	vst v0  }
0x6f: {  	[tilespmem:s29+$0xC80] =	vst v0  }
0x70: {  	[tilespmem:s29+$0xD00] =	vst v0  }
0x71: {  	[tilespmem:s29+$0xD80] =	vst v0  }
0x72: {  	[tilespmem:s29+$0xE00] =	vst v0  }
0x73: {  	[tilespmem:s29+$0xE80] =	vst v0  }
0x74: {  	[tilespmem:s29+$0xF00] =	vst v0  }
0x75: {  	[tilespmem:s29+$0xF80] =	vst v0  }
0x76: {  	v0 =	vld [tilespmem:s13+$0x4090];
	_ =	sdelay $0x4  }
0x77: {  	[tilespmem:s29+$0xC10] =	vst v0  }
0x78: {  	[tilespmem:s29+$0xC90] =	vst v0  }
0x79: {  	[tilespmem:s29+$0xD10] =	vst v0  }
0x7a: {  	[tilespmem:s29+$0xD90] =	vst v0  }
0x7b: {  	[tilespmem:s29+$0xE10] =	vst v0  }
0x7c: {  	[tilespmem:s29+$0xE90] =	vst v0  }
0x7d: {  	[tilespmem:s29+$0xF10] =	vst v0  }
0x7e: {  	[tilespmem:s29+$0xF90] =	vst v0  }
0x7f: {  	v0 =	vld [tilespmem:s13+$0x40A0];
	_ =	sdelay $0x4  }
0x80: {  	[tilespmem:s29+$0xC20] =	vst v0  }
0x81: {  	[tilespmem:s29+$0xCA0] =	vst v0  }
0x82: {  	[tilespmem:s29+$0xD20] =	vst v0  }
0x83: {  	[tilespmem:s29+$0xDA0] =	vst v0  }
0x84: {  	[tilespmem:s29+$0xE20] =	vst v0  }
0x85: {  	[tilespmem:s29+$0xEA0] =	vst v0  }
0x86: {  	[tilespmem:s29+$0xF20] =	vst v0  }
0x87: {  	[tilespmem:s29+$0xFA0] =	vst v0  }
0x88: {  	v0 =	vld [tilespmem:s13+$0x40B0];
	_ =	sdelay $0x4  }
0x89: {  	[tilespmem:s29+$0xC30] =	vst v0  }
0x8a: {  	[tilespmem:s29+$0xCB0] =	vst v0  }
0x8b: {  	[tilespmem:s29+$0xD30] =	vst v0  }
0x8c: {  	[tilespmem:s29+$0xDB0] =	vst v0  }
0x8d: {  	[tilespmem:s29+$0xE30] =	vst v0  }
0x8e: {  	[tilespmem:s29+$0xEB0] =	vst v0  }
0x8f: {  	[tilespmem:s29+$0xF30] =	vst v0  }
0x90: {  	[tilespmem:s29+$0xFB0] =	vst v0  }
0x91: {  	v0 =	vld [tilespmem:s13+$0x40C0];
	_ =	sdelay $0x4  }
0x92: {  	[tilespmem:s29+$0xC40] =	vst v0  }
0x93: {  	[tilespmem:s29+$0xCC0] =	vst v0  }
0x94: {  	[tilespmem:s29+$0xD40] =	vst v0  }
0x95: {  	[tilespmem:s29+$0xDC0] =	vst v0  }
0x96: {  	[tilespmem:s29+$0xE40] =	vst v0  }
0x97: {  	[tilespmem:s29+$0xEC0] =	vst v0  }
0x98: {  	[tilespmem:s29+$0xF40] =	vst v0  }
0x99: {  	[tilespmem:s29+$0xFC0] =	vst v0  }
0x9a: {  	v0 =	vld [tilespmem:s13+$0x40D0];
	_ =	sdelay $0x4  }
0x9b: {  	[tilespmem:s29+$0xC50] =	vst v0  }
0x9c: {  	[tilespmem:s29+$0xCD0] =	vst v0  }
0x9d: {  	[tilespmem:s29+$0xD50] =	vst v0  }
0x9e: {  	[tilespmem:s29+$0xDD0] =	vst v0  }
0x9f: {  	[tilespmem:s29+$0xE50] =	vst v0  }
0xa0: {  	[tilespmem:s29+$0xED0] =	vst v0  }
0xa1: {  	[tilespmem:s29+$0xF50] =	vst v0  }
0xa2: {  	[tilespmem:s29+$0xFD0] =	vst v0  }
0xa3: {  	v0 =	vld [tilespmem:s13+$0x40E0];
	_ =	sdelay $0x4  }
0xa4: {  	[tilespmem:s29+$0xC60] =	vst v0  }
0xa5: {  	[tilespmem:s29+$0xCE0] =	vst v0  }
0xa6: {  	[tilespmem:s29+$0xD60] =	vst v0  }
0xa7: {  	[tilespmem:s29+$0xDE0] =	vst v0  }
0xa8: {  	[tilespmem:s29+$0xE60] =	vst v0  }
0xa9: {  	[tilespmem:s29+$0xEE0] =	vst v0  }
0xaa: {  	[tilespmem:s29+$0xF60] =	vst v0  }
0xab: {  	[tilespmem:s29+$0xFE0] =	vst v0  }
0xac: {  	v0 =	vld [tilespmem:s13+$0x40F0];
	_ =	sdelay $0x4  }
0xad: {  	[tilespmem:s29+$0xC70] =	vst v0  }
0xae: {  	[tilespmem:s29+$0xCF0] =	vst v0  }
0xaf: {  	p0 =	sne.s32 s28, $0xC000;
	[tilespmem:s29+$0xD70] =	vst v0  }
.Ltmp0:
0xb0: {  	[tilespmem:s29+$0xDF0] =	vst v0;
	(pc) =	sbr.rel @p0 .LBB2_2-.Ltmp0, $4  }
0xb1: {  	[tilespmem:s29+$0xE70] =	vst v0  }
0xb2: {  	[tilespmem:s29+$0xEF0] =	vst v0  }
0xb3: {  	[tilespmem:s29+$0xF70] =	vst v0  }
0xb4: {  	s28 =	sadd.s32 $0x4000, s28;
	[tilespmem:s29+$0xFF0] =	vst v0  }
0xb5: {  	_ =	swait.ge [sflag:s24], $0x400  }
0xb6: {  	[sflag:s24] =	ssyncset.done $0x0  }
0xb7: {  	[sflag:s24] =	ssyncadd.s32 $0xFFFFFC00  }
0xb8: {  	_ =	swait.ge [sflag:s24], $0x400  }
0xb9: {  	[sflag:s24] =	ssyncset.done $0x0  }
0xba: {  	[sflag:s24] =	ssyncadd.s32 $0xFFFFFC00  }
0xbb: {  	_ =	swait.ge [sflag:s24], $0x400  }
0xbc: {  	[sflag:s24] =	ssyncset.done $0x0  }
0xbd: {  	[sflag:s24] =	ssyncadd.s32 $0xFFFFFC00  }
0xbe: {  	_ =	swait.ge [sflag:s24], $0x400  }
0xbf: {  	[sflag:s24] =	ssyncset.done $0x0  }
0xc0: {  	[sflag:s24] =	ssyncadd.s32 $0xFFFFFC00  }
0xc1: {  	_ =	swait.ge [sflag:s24], $0x400  }
0xc2: {  	[sflag:s24] =	ssyncset.done $0x0  }
0xc3: {  	[sflag:s24] =	ssyncadd.s32 $0xFFFFFC00  }
0xc4: {  	_ =	swait.ge [sflag:s24], $0x400  }
0xc5: {  	[sflag:s24] =	ssyncset.done $0x0  }
0xc6: {  	[sflag:s24] =	ssyncadd.s32 $0xFFFFFC00  }
0xc7: {  	_ =	swait.ge [sflag:s24], $0x400  }
0xc8: {  	[sflag:s24] =	ssyncset.done $0x0  }
0xc9: {  	[sflag:s24] =	ssyncadd.s32 $0xFFFFFC00  }
0xca: {  	_ =	swait.ge [sflag:s24], $0x400  }
0xcb: {  	[sflag:s24] =	ssyncset.done $0x0  }
0xcc: {  	[sflag:s24] =	ssyncadd.s32 $0xFFFFFC00  }
0xcd: {  	[hbm4b:s11+s1] =	stream.linear.scatter [tilespmem:s1], [sflag:$0x1], $0x4000, $0x38;
	[tilespmem:$0x6000] =	vst v63  }
0xce: {  	_ = 	snop  }
0xcf: {  	[hbm4b:s14+s1] =	stream.linear.scatter [tilespmem:s1], [sflag:$0x1], $0x4000, $0x38;
	[tilespmem:$0x6000] =	vst v63  }
0xd0: {  	_ = 	snop  }
0xd1: {  	[hbm4b:s15+s1] =	stream.linear.scatter [tilespmem:s1], [sflag:$0x1], $0x4000, $0x38;
	[tilespmem:$0x6000] =	vst v63  }
0xd2: {  	_ = 	snop  }
0xd3: {  	[hbm4b:s16+s1] =	stream.linear.scatter [tilespmem:s1], [sflag:$0x1], $0x4000, $0x38;
	[tilespmem:$0x6000] =	vst v63  }
0xd4: {  	_ = 	snop  }
0xd5: {  	[hbm4b:s17+s1] =	stream.linear.scatter [tilespmem:s1], [sflag:$0x1], $0x4000, $0x38;
	[tilespmem:$0x6000] =	vst v63  }
0xd6: {  	_ = 	snop  }
0xd7: {  	[hbm4b:s18+s1] =	stream.linear.scatter [tilespmem:s1], [sflag:$0x1], $0x4000, $0x38;
	[tilespmem:$0x6000] =	vst v63  }
0xd8: {  	_ = 	snop  }
0xd9: {  	[hbm4b:s19+s1] =	stream.linear.scatter [tilespmem:s1], [sflag:$0x1], $0x4000, $0x38;
	[tilespmem:$0x6000] =	vst v63  }
0xda: {  	_ = 	snop  }
0xdb: {  	[hbm4b:s20+s1] =	stream.linear.scatter [tilespmem:s1], [sflag:$0x1], $0x4000, $0x38;
	[tilespmem:$0x6000] =	vst v63  }
0xdc: {  	_ =	swait.ge [sflag:s25], $0x4000  }
0xdd: {  	[sflag:s25] =	ssyncset.done $0x0  }
0xde: {  	[sflag:s25] =	ssyncadd.s32 $0xFFFFC000  }
0xdf: {  	_ =	swait.ge [sflag:s25], $0x4000  }
0xe0: {  	[sflag:s25] =	ssyncset.done $0x0  }
0xe1: {  	[sflag:s25] =	ssyncadd.s32 $0xFFFFC000  }
0xe2: {  	_ =	swait.ge [sflag:s25], $0x4000  }
0xe3: {  	[sflag:s25] =	ssyncset.done $0x0  }
0xe4: {  	[sflag:s25] =	ssyncadd.s32 $0xFFFFC000  }
0xe5: {  	_ =	swait.ge [sflag:s25], $0x4000  }
0xe6: {  	[sflag:s25] =	ssyncset.done $0x0  }
0xe7: {  	[sflag:s25] =	ssyncadd.s32 $0xFFFFC000  }
0xe8: {  	_ =	swait.ge [sflag:s25], $0x4000  }
0xe9: {  	[sflag:s25] =	ssyncset.done $0x0  }
0xea: {  	[sflag:s25] =	ssyncadd.s32 $0xFFFFC000  }
0xeb: {  	_ =	swait.ge [sflag:s25], $0x4000  }
0xec: {  	[sflag:s25] =	ssyncset.done $0x0  }
0xed: {  	s26 =	sadd.s32 $0x1, s26;
	[sflag:s25] =	ssyncadd.s32 $0xFFFFC000  }
0xee: {  	p0 =	sne.s32 s26, s21;
	_ =	swait.ge [sflag:s25], $0x4000  }
.Ltmp1:
0xef: {  	[sflag:s25] =	ssyncset.done $0x0;
	(pc) =	sbr.rel @p0 .LBB2_1-.Ltmp1, $4  }
0xf0: {  	[sflag:s25] =	ssyncadd.s32 $0xFFFFC000  }
0xf1: {  	_ =	swait.ge [sflag:s25], $0x4000  }
0xf2: {  	[sflag:s25] =	ssyncset.done $0x0  }
0xf3: {  	[sflag:s25] =	ssyncadd.s32 $0xFFFFC000  }
0xf4: {  	_ =	sfence.sel $0x180000  }
0xf5: {  	[bflag:$0x0] =	sbarrier.arrive $0xFFFF  }
0xf6: {  	_ =	strace $0x90000047  }
0xf7: {  	s0 =	stileid.u32;
	[bflag:$0x2] =	sbarrier.arrive $0xFFFF  }
0xf8: {  	p0 =	sne.s32 s0, $0x0;
	s0 =	rddreg [dreg:$0x2]  }
0xf9: {  	s0 =	sadd.s32 @!p0 $0x100000, s0  }
0xfa: {  	[sflag:s0] =	ssyncadd.tile.s32 @!p0 $0x1;
	_ =	shalt  }
.Lfunc_end2:
_tile_overlayer_lowered:
.L_overlay_start_2:
0xfb: {  	(tag) =	ssettag $0x2  }
0xfc: {  	s0 =	rddreg [dreg:$0x0];
	s2 =	stileid.u32  }
0xfd: {  	s1 =	rddreg [dreg:$0x1];
	p0 =	sne.s32 s2, $0x0  }
0xfe: {  	s3 =	rddreg [dreg:$0x2];
	[bflag:$0x3] =	sbarrier.arrive $0xFFFF;
	s2 =	simm.s32 @!p0 $0x1C03  }
0xff: {  	[timem:s3], [sflag:s2] =	dma.local @!p0 [hbm:s0], s1  }
0x100: {  	s0 =	simm.s32 @!p0 $0x3  }
0x101: {  	_ =	swait.ge @!p0 [sflag:s0], s1  }
0x102: {  	s1 =	ssub.s32 @!p0 $0x0, s1;
	[sflag:s0] =	ssyncset.done @!p0 $0x0  }
0x103: {  	[sflag:s0] =	ssyncadd.s32 @!p0 s1  }
0x104: {  	[bflag:$0x3] =	sbarrier.arrive $0xFFFF  }
0x105: {  	_ =	shalt  }

</sc_bundles>
